<compile_context>
chip_gen: v7x
topology: tpu7x:2x2x1
jax: 0.10.2.dev20260603
libtpu: 0.0.44.dev20260713+nightly
codegen_flags: <defaults>
</compile_context>

<pallas_src>
import jax
import jax.numpy as jnp
from jax.experimental import pallas as pl
from jax.experimental.pallas import tpu as pltpu
from jax.experimental.pallas import tpu_sc as plsc

_MLP_TILE = 1024
_NC, _NS = 2, 16
_NW = _NC * _NS
_SB = 128


def _sc_gather(table, x_pad, win):
    batch, win_pad = x_pad.shape
    emb = table.shape[1]
    kd = win // 4
    assert win % 4 == 0 and 4 * emb == 128
    npc = _SB * win
    assert npc % 128 == 0
    streams = npc // 128
    kblk = npc // kd
    b_per_w = batch // _NW
    chunks = b_per_w // _SB
    mesh = plsc.VectorSubcoreMesh(core_axis_name="core", subcore_axis_name="subcore")

    @pl.kernel(
        out_type=jax.ShapeDtypeStruct((kd * batch, 4 * emb), table.dtype),
        mesh=mesh,
        scratch_types=[
            pltpu.VMEM((_SB, win_pad), jnp.int32),
            pltpu.VMEM((npc,), jnp.int32),
            pltpu.VMEM((npc, emb), table.dtype),
            pltpu.SemaphoreType.DMA,
        ],
        compiler_params=pltpu.CompilerParams(
            use_tc_tiling_on_sc=False, needs_layout_passes=False
        ),
    )
    def gather_kernel(tab_hbm, i_hbm, o_hbm, idx_v, idxp_v, rows_v, sem):
        wid = jax.lax.axis_index("subcore") * _NC + jax.lax.axis_index("core")
        b0 = wid * b_per_w
        lane = jax.lax.broadcasted_iota(jnp.int32, (16,), 0)

        @pl.loop(0, chunks)
        def _(c):
            b = b0 + c * _SB
            pltpu.sync_copy(i_hbm.at[pl.ds(b, _SB)], idx_v)
            @pl.loop(0, win)
            def _(w):
                for u in range(_SB // 16):
                    rows = 16 * u + lane
                    cols = jnp.full((16,), 0, jnp.int32) + w
                    vals = plsc.load_gather(idx_v, [rows, cols])
                    idxp_v[pl.ds(w * _SB + 16 * u, 16)] = (
                        (vals & (-4 * _CQ))
                        + ((vals & (_CQ - 1)) << 2)
                        + ((vals >> _CQLOG) & 3)
                    )
            copies = [
                pltpu.async_copy(
                    tab_hbm.at[idxp_v.at[pl.ds(j * 128, 128)]],
                    rows_v.at[pl.ds(j * 128, 128)],
                    sem,
                )
                for j in range(streams)
            ]
            for cp in copies:
                cp.wait()
            for w in range(win):
                k, c4 = divmod(w, 4)
                pltpu.sync_copy(
                    rows_v.at[pl.ds(w * _SB, _SB)],
                    o_hbm.at[pl.ds(k * batch + b, _SB), pl.ds(c4 * emb, emb)],
                )

    return gather_kernel(table, x_pad)


_CQ = 4096
_CQLOG = 12


def _compact_body(t0_ref, t1_ref, t2_ref, t3_ref, o_ref):
    emb = t0_ref.shape[0]
    rng = jax.lax.broadcasted_iota(jnp.int32, (emb, emb), 0)
    eye = (rng == rng.T).astype(jnp.float32)
    for c, t_ref in enumerate((t0_ref, t1_ref, t2_ref, t3_ref)):
        o_ref[:, pl.ds(c * emb, emb)] = jax.lax.dot_general(
            t_ref[...], eye, (((0,), (0,)), ((), ())),
            preferred_element_type=jnp.float32,
        )


def _tc_compact(table):
    v, emb = table.shape
    grid = -(-v // (4 * _CQ))
    nvb = -(-v // _CQ)
    t_t = table.T
    spec = lambda c: pl.BlockSpec(
        (emb, _CQ), lambda i, c=c: (0, jnp.minimum(4 * i + c, nvb - 1))
    )
    return pl.pallas_call(
        _compact_body,
        grid=(grid,),
        in_specs=[spec(0), spec(1), spec(2), spec(3)],
        out_specs=pl.BlockSpec((_CQ, 4 * emb), lambda i: (i, 0)),
        out_shape=jax.ShapeDtypeStruct((_CQ * grid, 4 * emb), jnp.float32),
    )(t_t, t_t, t_t, t_t)


def _mlp_body(h_ref, w1_ref, b1_ref, w2_ref, b2_ref, w3_ref, b3_ref, o_ref):
    kd = h_ref.shape[0]
    z = b1_ref[...] + jnp.dot(h_ref[0], w1_ref[0], preferred_element_type=jnp.float32)
    for k in range(1, kd):
        z = z + jnp.dot(h_ref[k], w1_ref[k], preferred_element_type=jnp.float32)
    z = jnp.maximum(z, 0.0)
    z = jnp.dot(z, w2_ref[...], preferred_element_type=jnp.float32) + b2_ref[...]
    z = jnp.maximum(z, 0.0)
    o_ref[...] = jnp.dot(z, w3_ref[...], preferred_element_type=jnp.float32) + b3_ref[...]


def _tc_mlp(h5, W1, b1, W2, b2, W3, b3):
    kd, batch, lane = h5.shape
    h1, h2, ncls = W1.shape[1], W2.shape[1], W3.shape[1]
    tile = min(_MLP_TILE, batch)
    grid = (batch // tile,)
    full = lambda shape: pl.BlockSpec(shape, lambda i: (0,) * len(shape))
    return pl.pallas_call(
        _mlp_body,
        grid=grid,
        in_specs=[
            pl.BlockSpec((kd, tile, lane), lambda i: (0, i, 0)),
            full((kd, lane, h1)),
            full((1, h1)),
            full((h1, h2)),
            full((1, h2)),
            full((h2, ncls)),
            full((1, ncls)),
        ],
        out_specs=pl.BlockSpec((tile, ncls), lambda i: (i, 0)),
        out_shape=jax.ShapeDtypeStruct((batch, ncls), jnp.float32),
    )(h5, W1.reshape(kd, lane, h1), b1.reshape(1, h1), W2, b2.reshape(1, h2),
      W3, b3.reshape(1, ncls))


def kernel(x, table, W1, b1, W2, b2, W3, b3):
    batch, win = x.shape
    xi = x.astype(jnp.int32)
    x_pad = jnp.pad(xi, ((0, 0), (0, 128 - win)))
    table_sc = _tc_compact(table).reshape(-1, table.shape[1])
    h = _sc_gather(table_sc, x_pad, win)
    h5 = h.reshape(win // 4, batch, h.shape[-1])
    return _tc_mlp(h5, W1, b1, W2, b2, W3, b3)

# --- scband reference (transcript-rebuilt; emitter-appended) ---
"""Pipeline reference for scband-nermodel-18150531793298 (READ-ONLY COPY).

The authoritative reference and input builder live on the scoring server;
editing this copy changes nothing except your own understanding.
"""

import jax, jax.numpy as jnp
import numpy as np

VOCAB = 1000000
EMB = 32
WIN = 20
H1 = 128
H2 = 64
NCLS = 9
BATCH = 16384


def setup_inputs(seed: int = 0) -> dict:
    key = jax.random.key(seed)
    k_x, k_tab, k_w1, k_b1, k_w2, k_b2, k_w3, k_b3 = jax.random.split(key, 8)
    x = jax.random.randint(k_x, (BATCH, WIN), 0, VOCAB, dtype=jnp.int64 if jax.config.jax_enable_x64 else jnp.int32)
    table = jax.random.normal(k_tab, (VOCAB, EMB), dtype=jnp.float32)
    in_dim = EMB * WIN
    # torch nn.Linear default init: U(-1/sqrt(fan_in), 1/sqrt(fan_in))
    def lin_init(kw, kb, fan_in, fan_out):
        bound = 1.0 / np.sqrt(fan_in)
        W = jax.random.uniform(kw, (fan_in, fan_out), minval=-bound, maxval=bound, dtype=jnp.float32)
        b = jax.random.uniform(kb, (fan_out,), minval=-bound, maxval=bound, dtype=jnp.float32)
        return W, b
    W1, b1 = lin_init(k_w1, k_b1, in_dim, H1)
    W2, b2 = lin_init(k_w2, k_b2, H1, H2)
    W3, b3 = lin_init(k_w3, k_b3, H2, NCLS)
    return {"x": x, "table": table, "W1": W1, "b1": b1, "W2": W2, "b2": b2, "W3": W3, "b3": b3}


def reference(x, table, W1, b1, W2, b2, W3, b3):
    # embedding lookup (SparseCore gather)
    embeds = jnp.take(table, x, axis=0)            # [B, WIN, EMB]
    h = embeds.reshape(embeds.shape[0], -1)        # [B, WIN*EMB]
    h = jnp.maximum(h @ W1 + b1, 0.0)              # Linear + ReLU (dropout_rate=0.0 -> identity)
    h = jnp.maximum(h @ W2 + b2, 0.0)
    out = h @ W3 + b3                              # [B, NCLS]
    return out

if __name__ == "__main__":
    import jax
    _d = setup_inputs()
    print(jax.jit(kernel)(*tuple(_d.values())))

</pallas_src>

<mosaic_0001>
#map = affine_map<(d0, d1) -> (0, 0)>
module attributes {stable_mosaic.version = 14 : i64} {
  func.func @gather_kernel(%arg0: i32, %arg1: i32, %arg2: memref<1015808x32xf32, #tpu.memory_space<hbm>>, %arg3: memref<16384x128xi32, #tpu.memory_space<hbm>>, %arg4: memref<81920x128xf32, #tpu.memory_space<hbm>>, %arg5: memref<128x128xi32, #tpu.memory_space<vmem>>, %arg6: memref<2560xi32, #tpu.memory_space<vmem>>, %arg7: memref<2560x32xf32, #tpu.memory_space<vmem>>, %arg8: memref<!tpu.dma_semaphore, #tpu.memory_space<semaphore_mem>>) attributes {dimension_semantics = [#tpu.dimension_semantics<core_parallel>, #tpu.dimension_semantics<subcore_parallel>], iteration_bounds = array<i64: 2, 16>, scalar_prefetch = 0 : i64, scratch_operands = 4 : i64, tpu.core_type = #tpu.core_type<sc_vector_subcore>, window_params = [{transform_indices = #map}, {transform_indices = #map}, {transform_indices = #map}]} {
    %mul3A = arith.constant 2 : i32
    %mul3A_0 = arith.muli %arg1, %mul3A : i32
    %add3A = arith.addi %mul3A_0, %arg0 : i32
    %mul3A_1 = arith.constant 512 : i32
    %mul3A_2 = arith.muli %add3A, %mul3A_1 : i32
    %iota3A = tpu.iota {dimensions = array<i32: 0>} : vector<16xi32>
    %scan3A = arith.constant 0 : i32
    %scan3A_3 = arith.constant 4 : i32
    %scan3A_4 = arith.addi %scan3A, %scan3A_3 : i32
    %scan3A_5 = arith.constant 1 : i32
    scf.for %scan3A_7 = %scan3A to %scan3A_4 step %scan3A_5  : i32 {
      %mul3A_8 = arith.constant 1 : i32
      %mul3A_9 = arith.muli %scan3A_7, %mul3A_8 : i32
      %add3A_10 = arith.constant 0 : i32
      %add3A_11 = arith.addi %add3A_10, %mul3A_9 : i32
      %mul3A_12 = arith.constant 128 : i32
      %mul3A_13 = arith.muli %add3A_11, %mul3A_12 : i32
      %add3A_14 = arith.addi %mul3A_2, %mul3A_13 : i32
      "tpu.region"() ({
        %run_scoped3A = tpu.sem_alloc : memref<!tpu.dma_semaphore, #tpu.memory_space<semaphore_mem>>
        %dma_start3A_378 = arith.constant 0 : i32
        %dma_start3A_379 = tpu.memref_slice %arg3[%add3A_14, %dma_start3A_378] : memref<16384x128xi32, #tpu.memory_space<hbm>> -> memref<128x128xi32, #tpu.memory_space<hbm>>
        %dma_start3A_380 = arith.constant 0 : i32
        %dma_start3A_381 = tpu.memref_slice %arg3[%add3A_14, %dma_start3A_380] : memref<16384x128xi32, #tpu.memory_space<hbm>> -> memref<128x128xi32, #tpu.memory_space<hbm>>
        tpu.enqueue_dma source(%dma_start3A_381 : memref<128x128xi32, #tpu.memory_space<hbm>>) target(%arg5 : memref<128x128xi32, #tpu.memory_space<vmem>>) target_semaphore(%run_scoped3A : memref<!tpu.dma_semaphore, #tpu.memory_space<semaphore_mem>>)
        %dma_wait3A_382 = arith.constant 0 : i32
        %dma_wait3A_383 = tpu.memref_slice %arg3[%add3A_14, %dma_wait3A_382] : memref<16384x128xi32, #tpu.memory_space<hbm>> -> memref<128x128xi32, #tpu.memory_space<hbm>>
        %dma_wait3A_384 = arith.constant 0 : i32
        %dma_wait3A_385 = tpu.memref_slice %arg3[%add3A_14, %dma_wait3A_384] : memref<16384x128xi32, #tpu.memory_space<hbm>> -> memref<128x128xi32, #tpu.memory_space<hbm>>
        tpu.wait_dma2 semaphore(%run_scoped3A : memref<!tpu.dma_semaphore, #tpu.memory_space<semaphore_mem>>) src(%dma_wait3A_385 : memref<128x128xi32, #tpu.memory_space<hbm>>) dst(%arg5 : memref<128x128xi32, #tpu.memory_space<vmem>>)
        tpu.yield
      }) : () -> ()
      %scan3A_15 = arith.constant 0 : i32
      %scan3A_16 = arith.constant 20 : i32
      %scan3A_17 = arith.addi %scan3A_15, %scan3A_16 : i32
      %scan3A_18 = arith.constant 1 : i32
      scf.for %scan3A_378 = %scan3A_15 to %scan3A_17 step %scan3A_18  : i32 {
        %mul3A_379 = arith.constant 1 : i32
        %mul3A_380 = arith.muli %scan3A_378, %mul3A_379 : i32
        %add3A_381 = arith.constant 0 : i32
        %add3A_382 = arith.addi %add3A_381, %mul3A_380 : i32
        %add3A_383 = arith.constant 0 : i32
        %add3A_384 = vector.broadcast %add3A_383 : i32 to vector<16xi32>
        %add3A_385 = arith.addi %add3A_384, %iota3A : vector<16xi32>
        %broadcast_in_dim3A = arith.constant 0 : i32
        %broadcast_in_dim3A_386 = vector.broadcast %broadcast_in_dim3A : i32 to vector<16xi32>
        %add3A_387 = vector.broadcast %add3A_382 : i32 to vector<16xi32>
        %add3A_388 = arith.addi %broadcast_in_dim3A_386, %add3A_387 : vector<16xi32>
        %gather3A = tpu.vector_load_idx %arg5[%add3A_385, %add3A_388] : memref<128x128xi32, #tpu.memory_space<vmem>>[vector<16xi32>, vector<16xi32>], vector<16xi32>,
        %and3A = arith.constant -16384 : i32
        %and3A_389 = vector.broadcast %and3A : i32 to vector<16xi32>
        %and3A_390 = arith.andi %gather3A, %and3A_389 : vector<16xi32>
        %and3A_391 = arith.constant 4095 : i32
        %and3A_392 = vector.broadcast %and3A_391 : i32 to vector<16xi32>
        %and3A_393 = arith.andi %gather3A, %and3A_392 : vector<16xi32>
        %shift_left3A = arith.constant 2 : i32
        %shift_left3A_394 = vector.broadcast %shift_left3A : i32 to vector<16xi32>
        %shift_left3A_395 = arith.shli %and3A_393, %shift_left3A_394 : vector<16xi32>
        %add3A_396 = arith.addi %and3A_390, %shift_left3A_395 : vector<16xi32>
        %shift_right_arithmetic3A = arith.constant 12 : i32
        %shift_right_arithmetic3A_397 = vector.broadcast %shift_right_arithmetic3A : i32 to vector<16xi32>
        %shift_right_arithmetic3A_398 = arith.shrsi %gather3A, %shift_right_arithmetic3A_397 : vector<16xi32>
        %and3A_399 = arith.constant 3 : i32
        %and3A_400 = vector.broadcast %and3A_399 : i32 to vector<16xi32>
        %and3A_401 = arith.andi %shift_right_arithmetic3A_398, %and3A_400 : vector<16xi32>
        %add3A_402 = arith.addi %add3A_396, %and3A_401 : vector<16xi32>
        %mul3A_403 = arith.constant 128 : i32
        %mul3A_404 = arith.muli %add3A_382, %mul3A_403 : i32
        %add3A_405 = arith.constant 0 : i32
        %add3A_406 = arith.addi %mul3A_404, %add3A_405 : i32
        %swap3A = arith.index_cast %add3A_406 : i32 to index
        %swap3A_407 = tpu.vector_load %arg6[%swap3A] {strides = array<i32>} : memref<2560xi32, #tpu.memory_space<vmem>>, vector<16xi32>,
        tpu.vector_store %arg6[%swap3A], %add3A_402 {strides = array<i32>} : memref<2560xi32, #tpu.memory_space<vmem>>, vector<16xi32>,
        %add3A_408 = arith.constant 16 : i32
        %add3A_409 = vector.broadcast %add3A_408 : i32 to vector<16xi32>
        %add3A_410 = arith.addi %add3A_409, %iota3A : vector<16xi32>
        %broadcast_in_dim3A_411 = arith.constant 0 : i32
        %broadcast_in_dim3A_412 = vector.broadcast %broadcast_in_dim3A_411 : i32 to vector<16xi32>
        %add3A_413 = vector.broadcast %add3A_382 : i32 to vector<16xi32>
        %add3A_414 = arith.addi %broadcast_in_dim3A_412, %add3A_413 : vector<16xi32>
        %gather3A_415 = tpu.vector_load_idx %arg5[%add3A_410, %add3A_414] : memref<128x128xi32, #tpu.memory_space<vmem>>[vector<16xi32>, vector<16xi32>], vector<16xi32>,
        %and3A_416 = arith.constant -16384 : i32
        %and3A_417 = vector.broadcast %and3A_416 : i32 to vector<16xi32>
        %and3A_418 = arith.andi %gather3A_415, %and3A_417 : vector<16xi32>
        %and3A_419 = arith.constant 4095 : i32
        %and3A_420 = vector.broadcast %and3A_419 : i32 to vector<16xi32>
        %and3A_421 = arith.andi %gather3A_415, %and3A_420 : vector<16xi32>
        %shift_left3A_422 = arith.constant 2 : i32
        %shift_left3A_423 = vector.broadcast %shift_left3A_422 : i32 to vector<16xi32>
        %shift_left3A_424 = arith.shli %and3A_421, %shift_left3A_423 : vector<16xi32>
        %add3A_425 = arith.addi %and3A_418, %shift_left3A_424 : vector<16xi32>
        %shift_right_arithmetic3A_426 = arith.constant 12 : i32
        %shift_right_arithmetic3A_427 = vector.broadcast %shift_right_arithmetic3A_426 : i32 to vector<16xi32>
        %shift_right_arithmetic3A_428 = arith.shrsi %gather3A_415, %shift_right_arithmetic3A_427 : vector<16xi32>
        %and3A_429 = arith.constant 3 : i32
        %and3A_430 = vector.broadcast %and3A_429 : i32 to vector<16xi32>
        %and3A_431 = arith.andi %shift_right_arithmetic3A_428, %and3A_430 : vector<16xi32>
        %add3A_432 = arith.addi %add3A_425, %and3A_431 : vector<16xi32>
        %mul3A_433 = arith.constant 128 : i32
        %mul3A_434 = arith.muli %add3A_382, %mul3A_433 : i32
        %add3A_435 = arith.constant 16 : i32
        %add3A_436 = arith.addi %mul3A_434, %add3A_435 : i32
        %swap3A_437 = arith.index_cast %add3A_436 : i32 to index
        %swap3A_438 = tpu.vector_load %arg6[%swap3A_437] {strides = array<i32>} : memref<2560xi32, #tpu.memory_space<vmem>>, vector<16xi32>,
        tpu.vector_store %arg6[%swap3A_437], %add3A_432 {strides = array<i32>} : memref<2560xi32, #tpu.memory_space<vmem>>, vector<16xi32>,
        %add3A_439 = arith.constant 32 : i32
        %add3A_440 = vector.broadcast %add3A_439 : i32 to vector<16xi32>
        %add3A_441 = arith.addi %add3A_440, %iota3A : vector<16xi32>
        %broadcast_in_dim3A_442 = arith.constant 0 : i32
        %broadcast_in_dim3A_443 = vector.broadcast %broadcast_in_dim3A_442 : i32 to vector<16xi32>
        %add3A_444 = vector.broadcast %add3A_382 : i32 to vector<16xi32>
        %add3A_445 = arith.addi %broadcast_in_dim3A_443, %add3A_444 : vector<16xi32>
        %gather3A_446 = tpu.vector_load_idx %arg5[%add3A_441, %add3A_445] : memref<128x128xi32, #tpu.memory_space<vmem>>[vector<16xi32>, vector<16xi32>], vector<16xi32>,
        %and3A_447 = arith.constant -16384 : i32
        %and3A_448 = vector.broadcast %and3A_447 : i32 to vector<16xi32>
        %and3A_449 = arith.andi %gather3A_446, %and3A_448 : vector<16xi32>
        %and3A_450 = arith.constant 4095 : i32
        %and3A_451 = vector.broadcast %and3A_450 : i32 to vector<16xi32>
        %and3A_452 = arith.andi %gather3A_446, %and3A_451 : vector<16xi32>
        %shift_left3A_453 = arith.constant 2 : i32
        %shift_left3A_454 = vector.broadcast %shift_left3A_453 : i32 to vector<16xi32>
        %shift_left3A_455 = arith.shli %and3A_452, %shift_left3A_454 : vector<16xi32>
        %add3A_456 = arith.addi %and3A_449, %shift_left3A_455 : vector<16xi32>
        %shift_right_arithmetic3A_457 = arith.constant 12 : i32
        %shift_right_arithmetic3A_458 = vector.broadcast %shift_right_arithmetic3A_457 : i32 to vector<16xi32>
        %shift_right_arithmetic3A_459 = arith.shrsi %gather3A_446, %shift_right_arithmetic3A_458 : vector<16xi32>
        %and3A_460 = arith.constant 3 : i32
        %and3A_461 = vector.broadcast %and3A_460 : i32 to vector<16xi32>
        %and3A_462 = arith.andi %shift_right_arithmetic3A_459, %and3A_461 : vector<16xi32>
        %add3A_463 = arith.addi %add3A_456, %and3A_462 : vector<16xi32>
        %mul3A_464 = arith.constant 128 : i32
        %mul3A_465 = arith.muli %add3A_382, %mul3A_464 : i32
        %add3A_466 = arith.constant 32 : i32
        %add3A_467 = arith.addi %mul3A_465, %add3A_466 : i32
        %swap3A_468 = arith.index_cast %add3A_467 : i32 to index
        %swap3A_469 = tpu.vector_load %arg6[%swap3A_468] {strides = array<i32>} : memref<2560xi32, #tpu.memory_space<vmem>>, vector<16xi32>,
        tpu.vector_store %arg6[%swap3A_468], %add3A_463 {strides = array<i32>} : memref<2560xi32, #tpu.memory_space<vmem>>, vector<16xi32>,
        %add3A_470 = arith.constant 48 : i32
        %add3A_471 = vector.broadcast %add3A_470 : i32 to vector<16xi32>
        %add3A_472 = arith.addi %add3A_471, %iota3A : vector<16xi32>
        %broadcast_in_dim3A_473 = arith.constant 0 : i32
        %broadcast_in_dim3A_474 = vector.broadcast %broadcast_in_dim3A_473 : i32 to vector<16xi32>
        %add3A_475 = vector.broadcast %add3A_382 : i32 to vector<16xi32>
        %add3A_476 = arith.addi %broadcast_in_dim3A_474, %add3A_475 : vector<16xi32>
        %gather3A_477 = tpu.vector_load_idx %arg5[%add3A_472, %add3A_476] : memref<128x128xi32, #tpu.memory_space<vmem>>[vector<16xi32>, vector<16xi32>], vector<16xi32>,
        %and3A_478 = arith.constant -16384 : i32
        %and3A_479 = vector.broadcast %and3A_478 : i32 to vector<16xi32>
        %and3A_480 = arith.andi %gather3A_477, %and3A_479 : vector<16xi32>
        %and3A_481 = arith.constant 4095 : i32
        %and3A_482 = vector.broadcast %and3A_481 : i32 to vector<16xi32>
        %and3A_483 = arith.andi %gather3A_477, %and3A_482 : vector<16xi32>
        %shift_left3A_484 = arith.constant 2 : i32
        %shift_left3A_485 = vector.broadcast %shift_left3A_484 : i32 to vector<16xi32>
        %shift_left3A_486 = arith.shli %and3A_483, %shift_left3A_485 : vector<16xi32>
        %add3A_487 = arith.addi %and3A_480, %shift_left3A_486 : vector<16xi32>
        %shift_right_arithmetic3A_488 = arith.constant 12 : i32
        %shift_right_arithmetic3A_489 = vector.broadcast %shift_right_arithmetic3A_488 : i32 to vector<16xi32>
        %shift_right_arithmetic3A_490 = arith.shrsi %gather3A_477, %shift_right_arithmetic3A_489 : vector<16xi32>
        %and3A_491 = arith.constant 3 : i32
        %and3A_492 = vector.broadcast %and3A_491 : i32 to vector<16xi32>
        %and3A_493 = arith.andi %shift_right_arithmetic3A_490, %and3A_492 : vector<16xi32>
        %add3A_494 = arith.addi %add3A_487, %and3A_493 : vector<16xi32>
        %mul3A_495 = arith.constant 128 : i32
        %mul3A_496 = arith.muli %add3A_382, %mul3A_495 : i32
        %add3A_497 = arith.constant 48 : i32
        %add3A_498 = arith.addi %mul3A_496, %add3A_497 : i32
        %swap3A_499 = arith.index_cast %add3A_498 : i32 to index
        %swap3A_500 = tpu.vector_load %arg6[%swap3A_499] {strides = array<i32>} : memref<2560xi32, #tpu.memory_space<vmem>>, vector<16xi32>,
        tpu.vector_store %arg6[%swap3A_499], %add3A_494 {strides = array<i32>} : memref<2560xi32, #tpu.memory_space<vmem>>, vector<16xi32>,
        %add3A_501 = arith.constant 64 : i32
        %add3A_502 = vector.broadcast %add3A_501 : i32 to vector<16xi32>
        %add3A_503 = arith.addi %add3A_502, %iota3A : vector<16xi32>
        %broadcast_in_dim3A_504 = arith.constant 0 : i32
        %broadcast_in_dim3A_505 = vector.broadcast %broadcast_in_dim3A_504 : i32 to vector<16xi32>
        %add3A_506 = vector.broadcast %add3A_382 : i32 to vector<16xi32>
        %add3A_507 = arith.addi %broadcast_in_dim3A_505, %add3A_506 : vector<16xi32>
        %gather3A_508 = tpu.vector_load_idx %arg5[%add3A_503, %add3A_507] : memref<128x128xi32, #tpu.memory_space<vmem>>[vector<16xi32>, vector<16xi32>], vector<16xi32>,
        %and3A_509 = arith.constant -16384 : i32
        %and3A_510 = vector.broadcast %and3A_509 : i32 to vector<16xi32>
        %and3A_511 = arith.andi %gather3A_508, %and3A_510 : vector<16xi32>
        %and3A_512 = arith.constant 4095 : i32
        %and3A_513 = vector.broadcast %and3A_512 : i32 to vector<16xi32>
        %and3A_514 = arith.andi %gather3A_508, %and3A_513 : vector<16xi32>
        %shift_left3A_515 = arith.constant 2 : i32
        %shift_left3A_516 = vector.broadcast %shift_left3A_515 : i32 to vector<16xi32>
        %shift_left3A_517 = arith.shli %and3A_514, %shift_left3A_516 : vector<16xi32>
        %add3A_518 = arith.addi %and3A_511, %shift_left3A_517 : vector<16xi32>
        %shift_right_arithmetic3A_519 = arith.constant 12 : i32
        %shift_right_arithmetic3A_520 = vector.broadcast %shift_right_arithmetic3A_519 : i32 to vector<16xi32>
        %shift_right_arithmetic3A_521 = arith.shrsi %gather3A_508, %shift_right_arithmetic3A_520 : vector<16xi32>
        %and3A_522 = arith.constant 3 : i32
        %and3A_523 = vector.broadcast %and3A_522 : i32 to vector<16xi32>
        %and3A_524 = arith.andi %shift_right_arithmetic3A_521, %and3A_523 : vector<16xi32>
        %add3A_525 = arith.addi %add3A_518, %and3A_524 : vector<16xi32>
        %mul3A_526 = arith.constant 128 : i32
        %mul3A_527 = arith.muli %add3A_382, %mul3A_526 : i32
        %add3A_528 = arith.constant 64 : i32
        %add3A_529 = arith.addi %mul3A_527, %add3A_528 : i32
        %swap3A_530 = arith.index_cast %add3A_529 : i32 to index
        %swap3A_531 = tpu.vector_load %arg6[%swap3A_530] {strides = array<i32>} : memref<2560xi32, #tpu.memory_space<vmem>>, vector<16xi32>,
        tpu.vector_store %arg6[%swap3A_530], %add3A_525 {strides = array<i32>} : memref<2560xi32, #tpu.memory_space<vmem>>, vector<16xi32>,
        %add3A_532 = arith.constant 80 : i32
        %add3A_533 = vector.broadcast %add3A_532 : i32 to vector<16xi32>
        %add3A_534 = arith.addi %add3A_533, %iota3A : vector<16xi32>
        %broadcast_in_dim3A_535 = arith.constant 0 : i32
        %broadcast_in_dim3A_536 = vector.broadcast %broadcast_in_dim3A_535 : i32 to vector<16xi32>
        %add3A_537 = vector.broadcast %add3A_382 : i32 to vector<16xi32>
        %add3A_538 = arith.addi %broadcast_in_dim3A_536, %add3A_537 : vector<16xi32>
        %gather3A_539 = tpu.vector_load_idx %arg5[%add3A_534, %add3A_538] : memref<128x128xi32, #tpu.memory_space<vmem>>[vector<16xi32>, vector<16xi32>], vector<16xi32>,
        %and3A_540 = arith.constant -16384 : i32
        %and3A_541 = vector.broadcast %and3A_540 : i32 to vector<16xi32>
        %and3A_542 = arith.andi %gather3A_539, %and3A_541 : vector<16xi32>
        %and3A_543 = arith.constant 4095 : i32
        %and3A_544 = vector.broadcast %and3A_543 : i32 to vector<16xi32>
        %and3A_545 = arith.andi %gather3A_539, %and3A_544 : vector<16xi32>
        %shift_left3A_546 = arith.constant 2 : i32
        %shift_left3A_547 = vector.broadcast %shift_left3A_546 : i32 to vector<16xi32>
        %shift_left3A_548 = arith.shli %and3A_545, %shift_left3A_547 : vector<16xi32>
        %add3A_549 = arith.addi %and3A_542, %shift_left3A_548 : vector<16xi32>
        %shift_right_arithmetic3A_550 = arith.constant 12 : i32
        %shift_right_arithmetic3A_551 = vector.broadcast %shift_right_arithmetic3A_550 : i32 to vector<16xi32>
        %shift_right_arithmetic3A_552 = arith.shrsi %gather3A_539, %shift_right_arithmetic3A_551 : vector<16xi32>
        %and3A_553 = arith.constant 3 : i32
        %and3A_554 = vector.broadcast %and3A_553 : i32 to vector<16xi32>
        %and3A_555 = arith.andi %shift_right_arithmetic3A_552, %and3A_554 : vector<16xi32>
        %add3A_556 = arith.addi %add3A_549, %and3A_555 : vector<16xi32>
        %mul3A_557 = arith.constant 128 : i32
        %mul3A_558 = arith.muli %add3A_382, %mul3A_557 : i32
        %add3A_559 = arith.constant 80 : i32
        %add3A_560 = arith.addi %mul3A_558, %add3A_559 : i32
        %swap3A_561 = arith.index_cast %add3A_560 : i32 to index
        %swap3A_562 = tpu.vector_load %arg6[%swap3A_561] {strides = array<i32>} : memref<2560xi32, #tpu.memory_space<vmem>>, vector<16xi32>,
        tpu.vector_store %arg6[%swap3A_561], %add3A_556 {strides = array<i32>} : memref<2560xi32, #tpu.memory_space<vmem>>, vector<16xi32>,
        %add3A_563 = arith.constant 96 : i32
        %add3A_564 = vector.broadcast %add3A_563 : i32 to vector<16xi32>
        %add3A_565 = arith.addi %add3A_564, %iota3A : vector<16xi32>
        %broadcast_in_dim3A_566 = arith.constant 0 : i32
        %broadcast_in_dim3A_567 = vector.broadcast %broadcast_in_dim3A_566 : i32 to vector<16xi32>
        %add3A_568 = vector.broadcast %add3A_382 : i32 to vector<16xi32>
        %add3A_569 = arith.addi %broadcast_in_dim3A_567, %add3A_568 : vector<16xi32>
        %gather3A_570 = tpu.vector_load_idx %arg5[%add3A_565, %add3A_569] : memref<128x128xi32, #tpu.memory_space<vmem>>[vector<16xi32>, vector<16xi32>], vector<16xi32>,
        %and3A_571 = arith.constant -16384 : i32
        %and3A_572 = vector.broadcast %and3A_571 : i32 to vector<16xi32>
        %and3A_573 = arith.andi %gather3A_570, %and3A_572 : vector<16xi32>
        %and3A_574 = arith.constant 4095 : i32
        %and3A_575 = vector.broadcast %and3A_574 : i32 to vector<16xi32>
        %and3A_576 = arith.andi %gather3A_570, %and3A_575 : vector<16xi32>
        %shift_left3A_577 = arith.constant 2 : i32
        %shift_left3A_578 = vector.broadcast %shift_left3A_577 : i32 to vector<16xi32>
        %shift_left3A_579 = arith.shli %and3A_576, %shift_left3A_578 : vector<16xi32>
        %add3A_580 = arith.addi %and3A_573, %shift_left3A_579 : vector<16xi32>
        %shift_right_arithmetic3A_581 = arith.constant 12 : i32
        %shift_right_arithmetic3A_582 = vector.broadcast %shift_right_arithmetic3A_581 : i32 to vector<16xi32>
        %shift_right_arithmetic3A_583 = arith.shrsi %gather3A_570, %shift_right_arithmetic3A_582 : vector<16xi32>
        %and3A_584 = arith.constant 3 : i32
        %and3A_585 = vector.broadcast %and3A_584 : i32 to vector<16xi32>
        %and3A_586 = arith.andi %shift_right_arithmetic3A_583, %and3A_585 : vector<16xi32>
        %add3A_587 = arith.addi %add3A_580, %and3A_586 : vector<16xi32>
        %mul3A_588 = arith.constant 128 : i32
        %mul3A_589 = arith.muli %add3A_382, %mul3A_588 : i32
        %add3A_590 = arith.constant 96 : i32
        %add3A_591 = arith.addi %mul3A_589, %add3A_590 : i32
        %swap3A_592 = arith.index_cast %add3A_591 : i32 to index
        %swap3A_593 = tpu.vector_load %arg6[%swap3A_592] {strides = array<i32>} : memref<2560xi32, #tpu.memory_space<vmem>>, vector<16xi32>,
        tpu.vector_store %arg6[%swap3A_592], %add3A_587 {strides = array<i32>} : memref<2560xi32, #tpu.memory_space<vmem>>, vector<16xi32>,
        %add3A_594 = arith.constant 112 : i32
        %add3A_595 = vector.broadcast %add3A_594 : i32 to vector<16xi32>
        %add3A_596 = arith.addi %add3A_595, %iota3A : vector<16xi32>
        %broadcast_in_dim3A_597 = arith.constant 0 : i32
        %broadcast_in_dim3A_598 = vector.broadcast %broadcast_in_dim3A_597 : i32 to vector<16xi32>
        %add3A_599 = vector.broadcast %add3A_382 : i32 to vector<16xi32>
        %add3A_600 = arith.addi %broadcast_in_dim3A_598, %add3A_599 : vector<16xi32>
        %gather3A_601 = tpu.vector_load_idx %arg5[%add3A_596, %add3A_600] : memref<128x128xi32, #tpu.memory_space<vmem>>[vector<16xi32>, vector<16xi32>], vector<16xi32>,
        %and3A_602 = arith.constant -16384 : i32
        %and3A_603 = vector.broadcast %and3A_602 : i32 to vector<16xi32>
        %and3A_604 = arith.andi %gather3A_601, %and3A_603 : vector<16xi32>
        %and3A_605 = arith.constant 4095 : i32
        %and3A_606 = vector.broadcast %and3A_605 : i32 to vector<16xi32>
        %and3A_607 = arith.andi %gather3A_601, %and3A_606 : vector<16xi32>
        %shift_left3A_608 = arith.constant 2 : i32
        %shift_left3A_609 = vector.broadcast %shift_left3A_608 : i32 to vector<16xi32>
        %shift_left3A_610 = arith.shli %and3A_607, %shift_left3A_609 : vector<16xi32>
        %add3A_611 = arith.addi %and3A_604, %shift_left3A_610 : vector<16xi32>
        %shift_right_arithmetic3A_612 = arith.constant 12 : i32
        %shift_right_arithmetic3A_613 = vector.broadcast %shift_right_arithmetic3A_612 : i32 to vector<16xi32>
        %shift_right_arithmetic3A_614 = arith.shrsi %gather3A_601, %shift_right_arithmetic3A_613 : vector<16xi32>
        %and3A_615 = arith.constant 3 : i32
        %and3A_616 = vector.broadcast %and3A_615 : i32 to vector<16xi32>
        %and3A_617 = arith.andi %shift_right_arithmetic3A_614, %and3A_616 : vector<16xi32>
        %add3A_618 = arith.addi %add3A_611, %and3A_617 : vector<16xi32>
        %mul3A_619 = arith.constant 128 : i32
        %mul3A_620 = arith.muli %add3A_382, %mul3A_619 : i32
        %add3A_621 = arith.constant 112 : i32
        %add3A_622 = arith.addi %mul3A_620, %add3A_621 : i32
        %swap3A_623 = arith.index_cast %add3A_622 : i32 to index
        %swap3A_624 = tpu.vector_load %arg6[%swap3A_623] {strides = array<i32>} : memref<2560xi32, #tpu.memory_space<vmem>>, vector<16xi32>,
        tpu.vector_store %arg6[%swap3A_623], %add3A_618 {strides = array<i32>} : memref<2560xi32, #tpu.memory_space<vmem>>, vector<16xi32>,
      }
      %scan3A_19 = arith.constant 20 : i32
      %dma_start3A = arith.constant 0 : i32
      %dma_start3A_20 = arith.constant 0 : i32
      %dma_start3A_21 = tpu.memref_slice %arg7[%dma_start3A, %dma_start3A_20] : memref<2560x32xf32, #tpu.memory_space<vmem>> -> memref<128x32xf32, #tpu.memory_space<vmem>>
      %dma_start3A_22 = arith.constant 0 : i32
      %dma_start3A_23 = tpu.memref_slice %arg6[%dma_start3A_22] : memref<2560xi32, #tpu.memory_space<vmem>> -> memref<128xi32, #tpu.memory_space<vmem>>
      %dma_start3A_24 = arith.constant 0 : i32
      %dma_start3A_25 = arith.constant 0 : i32
      %dma_start3A_26 = tpu.memref_slice %arg2[%dma_start3A_24, %dma_start3A_25] : memref<1015808x32xf32, #tpu.memory_space<hbm>> -> memref<1015808x32xf32, #tpu.memory_space<hbm>>
      tpu.enqueue_indirect_dma source(%dma_start3A_26 : memref<1015808x32xf32, #tpu.memory_space<hbm>>) target(%dma_start3A_21 : memref<128x32xf32, #tpu.memory_space<vmem>>) offsets(%dma_start3A_23 : memref<128xi32, #tpu.memory_space<vmem>>) semaphore(%arg8 : memref<!tpu.dma_semaphore, #tpu.memory_space<semaphore_mem>>)
      %dma_start3A_27 = arith.constant 128 : i32
      %dma_start3A_28 = arith.constant 0 : i32
      %dma_start3A_29 = tpu.memref_slice %arg7[%dma_start3A_27, %dma_start3A_28] : memref<2560x32xf32, #tpu.memory_space<vmem>> -> memref<128x32xf32, #tpu.memory_space<vmem>>
      %dma_start3A_30 = arith.constant 128 : i32
      %dma_start3A_31 = tpu.memref_slice %arg6[%dma_start3A_30] : memref<2560xi32, #tpu.memory_space<vmem>> -> memref<128xi32, #tpu.memory_space<vmem>>
      %dma_start3A_32 = arith.constant 0 : i32
      %dma_start3A_33 = arith.constant 0 : i32
      %dma_start3A_34 = tpu.memref_slice %arg2[%dma_start3A_32, %dma_start3A_33] : memref<1015808x32xf32, #tpu.memory_space<hbm>> -> memref<1015808x32xf32, #tpu.memory_space<hbm>>
      tpu.enqueue_indirect_dma source(%dma_start3A_34 : memref<1015808x32xf32, #tpu.memory_space<hbm>>) target(%dma_start3A_29 : memref<128x32xf32, #tpu.memory_space<vmem>>) offsets(%dma_start3A_31 : memref<128xi32, #tpu.memory_space<vmem>>) semaphore(%arg8 : memref<!tpu.dma_semaphore, #tpu.memory_space<semaphore_mem>>)
      %dma_start3A_35 = arith.constant 256 : i32
      %dma_start3A_36 = arith.constant 0 : i32
      %dma_start3A_37 = tpu.memref_slice %arg7[%dma_start3A_35, %dma_start3A_36] : memref<2560x32xf32, #tpu.memory_space<vmem>> -> memref<128x32xf32, #tpu.memory_space<vmem>>
      %dma_start3A_38 = arith.constant 256 : i32
      %dma_start3A_39 = tpu.memref_slice %arg6[%dma_start3A_38] : memref<2560xi32, #tpu.memory_space<vmem>> -> memref<128xi32, #tpu.memory_space<vmem>>
      %dma_start3A_40 = arith.constant 0 : i32
      %dma_start3A_41 = arith.constant 0 : i32
      %dma_start3A_42 = tpu.memref_slice %arg2[%dma_start3A_40, %dma_start3A_41] : memref<1015808x32xf32, #tpu.memory_space<hbm>> -> memref<1015808x32xf32, #tpu.memory_space<hbm>>
      tpu.enqueue_indirect_dma source(%dma_start3A_42 : memref<1015808x32xf32, #tpu.memory_space<hbm>>) target(%dma_start3A_37 : memref<128x32xf32, #tpu.memory_space<vmem>>) offsets(%dma_start3A_39 : memref<128xi32, #tpu.memory_space<vmem>>) semaphore(%arg8 : memref<!tpu.dma_semaphore, #tpu.memory_space<semaphore_mem>>)
      %dma_start3A_43 = arith.constant 384 : i32
      %dma_start3A_44 = arith.constant 0 : i32
      %dma_start3A_45 = tpu.memref_slice %arg7[%dma_start3A_43, %dma_start3A_44] : memref<2560x32xf32, #tpu.memory_space<vmem>> -> memref<128x32xf32, #tpu.memory_space<vmem>>
      %dma_start3A_46 = arith.constant 384 : i32
      %dma_start3A_47 = tpu.memref_slice %arg6[%dma_start3A_46] : memref<2560xi32, #tpu.memory_space<vmem>> -> memref<128xi32, #tpu.memory_space<vmem>>
      %dma_start3A_48 = arith.constant 0 : i32
      %dma_start3A_49 = arith.constant 0 : i32
      %dma_start3A_50 = tpu.memref_slice %arg2[%dma_start3A_48, %dma_start3A_49] : memref<1015808x32xf32, #tpu.memory_space<hbm>> -> memref<1015808x32xf32, #tpu.memory_space<hbm>>
      tpu.enqueue_indirect_dma source(%dma_start3A_50 : memref<1015808x32xf32, #tpu.memory_space<hbm>>) target(%dma_start3A_45 : memref<128x32xf32, #tpu.memory_space<vmem>>) offsets(%dma_start3A_47 : memref<128xi32, #tpu.memory_space<vmem>>) semaphore(%arg8 : memref<!tpu.dma_semaphore, #tpu.memory_space<semaphore_mem>>)
      %dma_start3A_51 = arith.constant 512 : i32
      %dma_start3A_52 = arith.constant 0 : i32
      %dma_start3A_53 = tpu.memref_slice %arg7[%dma_start3A_51, %dma_start3A_52] : memref<2560x32xf32, #tpu.memory_space<vmem>> -> memref<128x32xf32, #tpu.memory_space<vmem>>
      %dma_start3A_54 = arith.constant 512 : i32
      %dma_start3A_55 = tpu.memref_slice %arg6[%dma_start3A_54] : memref<2560xi32, #tpu.memory_space<vmem>> -> memref<128xi32, #tpu.memory_space<vmem>>
      %dma_start3A_56 = arith.constant 0 : i32
      %dma_start3A_57 = arith.constant 0 : i32
      %dma_start3A_58 = tpu.memref_slice %arg2[%dma_start3A_56, %dma_start3A_57] : memref<1015808x32xf32, #tpu.memory_space<hbm>> -> memref<1015808x32xf32, #tpu.memory_space<hbm>>
      tpu.enqueue_indirect_dma source(%dma_start3A_58 : memref<1015808x32xf32, #tpu.memory_space<hbm>>) target(%dma_start3A_53 : memref<128x32xf32, #tpu.memory_space<vmem>>) offsets(%dma_start3A_55 : memref<128xi32, #tpu.memory_space<vmem>>) semaphore(%arg8 : memref<!tpu.dma_semaphore, #tpu.memory_space<semaphore_mem>>)
      %dma_start3A_59 = arith.constant 640 : i32
      %dma_start3A_60 = arith.constant 0 : i32
      %dma_start3A_61 = tpu.memref_slice %arg7[%dma_start3A_59, %dma_start3A_60] : memref<2560x32xf32, #tpu.memory_space<vmem>> -> memref<128x32xf32, #tpu.memory_space<vmem>>
      %dma_start3A_62 = arith.constant 640 : i32
      %dma_start3A_63 = tpu.memref_slice %arg6[%dma_start3A_62] : memref<2560xi32, #tpu.memory_space<vmem>> -> memref<128xi32, #tpu.memory_space<vmem>>
      %dma_start3A_64 = arith.constant 0 : i32
      %dma_start3A_65 = arith.constant 0 : i32
      %dma_start3A_66 = tpu.memref_slice %arg2[%dma_start3A_64, %dma_start3A_65] : memref<1015808x32xf32, #tpu.memory_space<hbm>> -> memref<1015808x32xf32, #tpu.memory_space<hbm>>
      tpu.enqueue_indirect_dma source(%dma_start3A_66 : memref<1015808x32xf32, #tpu.memory_space<hbm>>) target(%dma_start3A_61 : memref<128x32xf32, #tpu.memory_space<vmem>>) offsets(%dma_start3A_63 : memref<128xi32, #tpu.memory_space<vmem>>) semaphore(%arg8 : memref<!tpu.dma_semaphore, #tpu.memory_space<semaphore_mem>>)
      %dma_start3A_67 = arith.constant 768 : i32
      %dma_start3A_68 = arith.constant 0 : i32
      %dma_start3A_69 = tpu.memref_slice %arg7[%dma_start3A_67, %dma_start3A_68] : memref<2560x32xf32, #tpu.memory_space<vmem>> -> memref<128x32xf32, #tpu.memory_space<vmem>>
      %dma_start3A_70 = arith.constant 768 : i32
      %dma_start3A_71 = tpu.memref_slice %arg6[%dma_start3A_70] : memref<2560xi32, #tpu.memory_space<vmem>> -> memref<128xi32, #tpu.memory_space<vmem>>
      %dma_start3A_72 = arith.constant 0 : i32
      %dma_start3A_73 = arith.constant 0 : i32
      %dma_start3A_74 = tpu.memref_slice %arg2[%dma_start3A_72, %dma_start3A_73] : memref<1015808x32xf32, #tpu.memory_space<hbm>> -> memref<1015808x32xf32, #tpu.memory_space<hbm>>
      tpu.enqueue_indirect_dma source(%dma_start3A_74 : memref<1015808x32xf32, #tpu.memory_space<hbm>>) target(%dma_start3A_69 : memref<128x32xf32, #tpu.memory_space<vmem>>) offsets(%dma_start3A_71 : memref<128xi32, #tpu.memory_space<vmem>>) semaphore(%arg8 : memref<!tpu.dma_semaphore, #tpu.memory_space<semaphore_mem>>)
      %dma_start3A_75 = arith.constant 896 : i32
      %dma_start3A_76 = arith.constant 0 : i32
      %dma_start3A_77 = tpu.memref_slice %arg7[%dma_start3A_75, %dma_start3A_76] : memref<2560x32xf32, #tpu.memory_space<vmem>> -> memref<128x32xf32, #tpu.memory_space<vmem>>
      %dma_start3A_78 = arith.constant 896 : i32
      %dma_start3A_79 = tpu.memref_slice %arg6[%dma_start3A_78] : memref<2560xi32, #tpu.memory_space<vmem>> -> memref<128xi32, #tpu.memory_space<vmem>>
      %dma_start3A_80 = arith.constant 0 : i32
      %dma_start3A_81 = arith.constant 0 : i32
      %dma_start3A_82 = tpu.memref_slice %arg2[%dma_start3A_80, %dma_start3A_81] : memref<1015808x32xf32, #tpu.memory_space<hbm>> -> memref<1015808x32xf32, #tpu.memory_space<hbm>>
      tpu.enqueue_indirect_dma source(%dma_start3A_82 : memref<1015808x32xf32, #tpu.memory_space<hbm>>) target(%dma_start3A_77 : memref<128x32xf32, #tpu.memory_space<vmem>>) offsets(%dma_start3A_79 : memref<128xi32, #tpu.memory_space<vmem>>) semaphore(%arg8 : memref<!tpu.dma_semaphore, #tpu.memory_space<semaphore_mem>>)
      %dma_start3A_83 = arith.constant 1024 : i32
      %dma_start3A_84 = arith.constant 0 : i32
      %dma_start3A_85 = tpu.memref_slice %arg7[%dma_start3A_83, %dma_start3A_84] : memref<2560x32xf32, #tpu.memory_space<vmem>> -> memref<128x32xf32, #tpu.memory_space<vmem>>
      %dma_start3A_86 = arith.constant 1024 : i32
      %dma_start3A_87 = tpu.memref_slice %arg6[%dma_start3A_86] : memref<2560xi32, #tpu.memory_space<vmem>> -> memref<128xi32, #tpu.memory_space<vmem>>
      %dma_start3A_88 = arith.constant 0 : i32
      %dma_start3A_89 = arith.constant 0 : i32
      %dma_start3A_90 = tpu.memref_slice %arg2[%dma_start3A_88, %dma_start3A_89] : memref<1015808x32xf32, #tpu.memory_space<hbm>> -> memref<1015808x32xf32, #tpu.memory_space<hbm>>
      tpu.enqueue_indirect_dma source(%dma_start3A_90 : memref<1015808x32xf32, #tpu.memory_space<hbm>>) target(%dma_start3A_85 : memref<128x32xf32, #tpu.memory_space<vmem>>) offsets(%dma_start3A_87 : memref<128xi32, #tpu.memory_space<vmem>>) semaphore(%arg8 : memref<!tpu.dma_semaphore, #tpu.memory_space<semaphore_mem>>)
      %dma_start3A_91 = arith.constant 1152 : i32
      %dma_start3A_92 = arith.constant 0 : i32
      %dma_start3A_93 = tpu.memref_slice %arg7[%dma_start3A_91, %dma_start3A_92] : memref<2560x32xf32, #tpu.memory_space<vmem>> -> memref<128x32xf32, #tpu.memory_space<vmem>>
      %dma_start3A_94 = arith.constant 1152 : i32
      %dma_start3A_95 = tpu.memref_slice %arg6[%dma_start3A_94] : memref<2560xi32, #tpu.memory_space<vmem>> -> memref<128xi32, #tpu.memory_space<vmem>>
      %dma_start3A_96 = arith.constant 0 : i32
      %dma_start3A_97 = arith.constant 0 : i32
      %dma_start3A_98 = tpu.memref_slice %arg2[%dma_start3A_96, %dma_start3A_97] : memref<1015808x32xf32, #tpu.memory_space<hbm>> -> memref<1015808x32xf32, #tpu.memory_space<hbm>>
      tpu.enqueue_indirect_dma source(%dma_start3A_98 : memref<1015808x32xf32, #tpu.memory_space<hbm>>) target(%dma_start3A_93 : memref<128x32xf32, #tpu.memory_space<vmem>>) offsets(%dma_start3A_95 : memref<128xi32, #tpu.memory_space<vmem>>) semaphore(%arg8 : memref<!tpu.dma_semaphore, #tpu.memory_space<semaphore_mem>>)
      %dma_start3A_99 = arith.constant 1280 : i32
      %dma_start3A_100 = arith.constant 0 : i32
      %dma_start3A_101 = tpu.memref_slice %arg7[%dma_start3A_99, %dma_start3A_100] : memref<2560x32xf32, #tpu.memory_space<vmem>> -> memref<128x32xf32, #tpu.memory_space<vmem>>
      %dma_start3A_102 = arith.constant 1280 : i32
      %dma_start3A_103 = tpu.memref_slice %arg6[%dma_start3A_102] : memref<2560xi32, #tpu.memory_space<vmem>> -> memref<128xi32, #tpu.memory_space<vmem>>
      %dma_start3A_104 = arith.constant 0 : i32
      %dma_start3A_105 = arith.constant 0 : i32
      %dma_start3A_106 = tpu.memref_slice %arg2[%dma_start3A_104, %dma_start3A_105] : memref<1015808x32xf32, #tpu.memory_space<hbm>> -> memref<1015808x32xf32, #tpu.memory_space<hbm>>
      tpu.enqueue_indirect_dma source(%dma_start3A_106 : memref<1015808x32xf32, #tpu.memory_space<hbm>>) target(%dma_start3A_101 : memref<128x32xf32, #tpu.memory_space<vmem>>) offsets(%dma_start3A_103 : memref<128xi32, #tpu.memory_space<vmem>>) semaphore(%arg8 : memref<!tpu.dma_semaphore, #tpu.memory_space<semaphore_mem>>)
      %dma_start3A_107 = arith.constant 1408 : i32
      %dma_start3A_108 = arith.constant 0 : i32
      %dma_start3A_109 = tpu.memref_slice %arg7[%dma_start3A_107, %dma_start3A_108] : memref<2560x32xf32, #tpu.memory_space<vmem>> -> memref<128x32xf32, #tpu.memory_space<vmem>>
      %dma_start3A_110 = arith.constant 1408 : i32
      %dma_start3A_111 = tpu.memref_slice %arg6[%dma_start3A_110] : memref<2560xi32, #tpu.memory_space<vmem>> -> memref<128xi32, #tpu.memory_space<vmem>>
      %dma_start3A_112 = arith.constant 0 : i32
      %dma_start3A_113 = arith.constant 0 : i32
      %dma_start3A_114 = tpu.memref_slice %arg2[%dma_start3A_112, %dma_start3A_113] : memref<1015808x32xf32, #tpu.memory_space<hbm>> -> memref<1015808x32xf32, #tpu.memory_space<hbm>>
      tpu.enqueue_indirect_dma source(%dma_start3A_114 : memref<1015808x32xf32, #tpu.memory_space<hbm>>) target(%dma_start3A_109 : memref<128x32xf32, #tpu.memory_space<vmem>>) offsets(%dma_start3A_111 : memref<128xi32, #tpu.memory_space<vmem>>) semaphore(%arg8 : memref<!tpu.dma_semaphore, #tpu.memory_space<semaphore_mem>>)
      %dma_start3A_115 = arith.constant 1536 : i32
      %dma_start3A_116 = arith.constant 0 : i32
      %dma_start3A_117 = tpu.memref_slice %arg7[%dma_start3A_115, %dma_start3A_116] : memref<2560x32xf32, #tpu.memory_space<vmem>> -> memref<128x32xf32, #tpu.memory_space<vmem>>
      %dma_start3A_118 = arith.constant 1536 : i32
      %dma_start3A_119 = tpu.memref_slice %arg6[%dma_start3A_118] : memref<2560xi32, #tpu.memory_space<vmem>> -> memref<128xi32, #tpu.memory_space<vmem>>
      %dma_start3A_120 = arith.constant 0 : i32
      %dma_start3A_121 = arith.constant 0 : i32
      %dma_start3A_122 = tpu.memref_slice %arg2[%dma_start3A_120, %dma_start3A_121] : memref<1015808x32xf32, #tpu.memory_space<hbm>> -> memref<1015808x32xf32, #tpu.memory_space<hbm>>
      tpu.enqueue_indirect_dma source(%dma_start3A_122 : memref<1015808x32xf32, #tpu.memory_space<hbm>>) target(%dma_start3A_117 : memref<128x32xf32, #tpu.memory_space<vmem>>) offsets(%dma_start3A_119 : memref<128xi32, #tpu.memory_space<vmem>>) semaphore(%arg8 : memref<!tpu.dma_semaphore, #tpu.memory_space<semaphore_mem>>)
      %dma_start3A_123 = arith.constant 1664 : i32
      %dma_start3A_124 = arith.constant 0 : i32
      %dma_start3A_125 = tpu.memref_slice %arg7[%dma_start3A_123, %dma_start3A_124] : memref<2560x32xf32, #tpu.memory_space<vmem>> -> memref<128x32xf32, #tpu.memory_space<vmem>>
      %dma_start3A_126 = arith.constant 1664 : i32
      %dma_start3A_127 = tpu.memref_slice %arg6[%dma_start3A_126] : memref<2560xi32, #tpu.memory_space<vmem>> -> memref<128xi32, #tpu.memory_space<vmem>>
      %dma_start3A_128 = arith.constant 0 : i32
      %dma_start3A_129 = arith.constant 0 : i32
      %dma_start3A_130 = tpu.memref_slice %arg2[%dma_start3A_128, %dma_start3A_129] : memref<1015808x32xf32, #tpu.memory_space<hbm>> -> memref<1015808x32xf32, #tpu.memory_space<hbm>>
      tpu.enqueue_indirect_dma source(%dma_start3A_130 : memref<1015808x32xf32, #tpu.memory_space<hbm>>) target(%dma_start3A_125 : memref<128x32xf32, #tpu.memory_space<vmem>>) offsets(%dma_start3A_127 : memref<128xi32, #tpu.memory_space<vmem>>) semaphore(%arg8 : memref<!tpu.dma_semaphore, #tpu.memory_space<semaphore_mem>>)
      %dma_start3A_131 = arith.constant 1792 : i32
      %dma_start3A_132 = arith.constant 0 : i32
      %dma_start3A_133 = tpu.memref_slice %arg7[%dma_start3A_131, %dma_start3A_132] : memref<2560x32xf32, #tpu.memory_space<vmem>> -> memref<128x32xf32, #tpu.memory_space<vmem>>
      %dma_start3A_134 = arith.constant 1792 : i32
      %dma_start3A_135 = tpu.memref_slice %arg6[%dma_start3A_134] : memref<2560xi32, #tpu.memory_space<vmem>> -> memref<128xi32, #tpu.memory_space<vmem>>
      %dma_start3A_136 = arith.constant 0 : i32
      %dma_start3A_137 = arith.constant 0 : i32
      %dma_start3A_138 = tpu.memref_slice %arg2[%dma_start3A_136, %dma_start3A_137] : memref<1015808x32xf32, #tpu.memory_space<hbm>> -> memref<1015808x32xf32, #tpu.memory_space<hbm>>
      tpu.enqueue_indirect_dma source(%dma_start3A_138 : memref<1015808x32xf32, #tpu.memory_space<hbm>>) target(%dma_start3A_133 : memref<128x32xf32, #tpu.memory_space<vmem>>) offsets(%dma_start3A_135 : memref<128xi32, #tpu.memory_space<vmem>>) semaphore(%arg8 : memref<!tpu.dma_semaphore, #tpu.memory_space<semaphore_mem>>)
      %dma_start3A_139 = arith.constant 1920 : i32
      %dma_start3A_140 = arith.constant 0 : i32
      %dma_start3A_141 = tpu.memref_slice %arg7[%dma_start3A_139, %dma_start3A_140] : memref<2560x32xf32, #tpu.memory_space<vmem>> -> memref<128x32xf32, #tpu.memory_space<vmem>>
      %dma_start3A_142 = arith.constant 1920 : i32
      %dma_start3A_143 = tpu.memref_slice %arg6[%dma_start3A_142] : memref<2560xi32, #tpu.memory_space<vmem>> -> memref<128xi32, #tpu.memory_space<vmem>>
      %dma_start3A_144 = arith.constant 0 : i32
      %dma_start3A_145 = arith.constant 0 : i32
      %dma_start3A_146 = tpu.memref_slice %arg2[%dma_start3A_144, %dma_start3A_145] : memref<1015808x32xf32, #tpu.memory_space<hbm>> -> memref<1015808x32xf32, #tpu.memory_space<hbm>>
      tpu.enqueue_indirect_dma source(%dma_start3A_146 : memref<1015808x32xf32, #tpu.memory_space<hbm>>) target(%dma_start3A_141 : memref<128x32xf32, #tpu.memory_space<vmem>>) offsets(%dma_start3A_143 : memref<128xi32, #tpu.memory_space<vmem>>) semaphore(%arg8 : memref<!tpu.dma_semaphore, #tpu.memory_space<semaphore_mem>>)
      %dma_start3A_147 = arith.constant 2048 : i32
      %dma_start3A_148 = arith.constant 0 : i32
      %dma_start3A_149 = tpu.memref_slice %arg7[%dma_start3A_147, %dma_start3A_148] : memref<2560x32xf32, #tpu.memory_space<vmem>> -> memref<128x32xf32, #tpu.memory_space<vmem>>
      %dma_start3A_150 = arith.constant 2048 : i32
      %dma_start3A_151 = tpu.memref_slice %arg6[%dma_start3A_150] : memref<2560xi32, #tpu.memory_space<vmem>> -> memref<128xi32, #tpu.memory_space<vmem>>
      %dma_start3A_152 = arith.constant 0 : i32
      %dma_start3A_153 = arith.constant 0 : i32
      %dma_start3A_154 = tpu.memref_slice %arg2[%dma_start3A_152, %dma_start3A_153] : memref<1015808x32xf32, #tpu.memory_space<hbm>> -> memref<1015808x32xf32, #tpu.memory_space<hbm>>
      tpu.enqueue_indirect_dma source(%dma_start3A_154 : memref<1015808x32xf32, #tpu.memory_space<hbm>>) target(%dma_start3A_149 : memref<128x32xf32, #tpu.memory_space<vmem>>) offsets(%dma_start3A_151 : memref<128xi32, #tpu.memory_space<vmem>>) semaphore(%arg8 : memref<!tpu.dma_semaphore, #tpu.memory_space<semaphore_mem>>)
      %dma_start3A_155 = arith.constant 2176 : i32
      %dma_start3A_156 = arith.constant 0 : i32
      %dma_start3A_157 = tpu.memref_slice %arg7[%dma_start3A_155, %dma_start3A_156] : memref<2560x32xf32, #tpu.memory_space<vmem>> -> memref<128x32xf32, #tpu.memory_space<vmem>>
      %dma_start3A_158 = arith.constant 2176 : i32
      %dma_start3A_159 = tpu.memref_slice %arg6[%dma_start3A_158] : memref<2560xi32, #tpu.memory_space<vmem>> -> memref<128xi32, #tpu.memory_space<vmem>>
      %dma_start3A_160 = arith.constant 0 : i32
      %dma_start3A_161 = arith.constant 0 : i32
      %dma_start3A_162 = tpu.memref_slice %arg2[%dma_start3A_160, %dma_start3A_161] : memref<1015808x32xf32, #tpu.memory_space<hbm>> -> memref<1015808x32xf32, #tpu.memory_space<hbm>>
      tpu.enqueue_indirect_dma source(%dma_start3A_162 : memref<1015808x32xf32, #tpu.memory_space<hbm>>) target(%dma_start3A_157 : memref<128x32xf32, #tpu.memory_space<vmem>>) offsets(%dma_start3A_159 : memref<128xi32, #tpu.memory_space<vmem>>) semaphore(%arg8 : memref<!tpu.dma_semaphore, #tpu.memory_space<semaphore_mem>>)
      %dma_start3A_163 = arith.constant 2304 : i32
      %dma_start3A_164 = arith.constant 0 : i32
      %dma_start3A_165 = tpu.memref_slice %arg7[%dma_start3A_163, %dma_start3A_164] : memref<2560x32xf32, #tpu.memory_space<vmem>> -> memref<128x32xf32, #tpu.memory_space<vmem>>
      %dma_start3A_166 = arith.constant 2304 : i32
      %dma_start3A_167 = tpu.memref_slice %arg6[%dma_start3A_166] : memref<2560xi32, #tpu.memory_space<vmem>> -> memref<128xi32, #tpu.memory_space<vmem>>
      %dma_start3A_168 = arith.constant 0 : i32
      %dma_start3A_169 = arith.constant 0 : i32
      %dma_start3A_170 = tpu.memref_slice %arg2[%dma_start3A_168, %dma_start3A_169] : memref<1015808x32xf32, #tpu.memory_space<hbm>> -> memref<1015808x32xf32, #tpu.memory_space<hbm>>
      tpu.enqueue_indirect_dma source(%dma_start3A_170 : memref<1015808x32xf32, #tpu.memory_space<hbm>>) target(%dma_start3A_165 : memref<128x32xf32, #tpu.memory_space<vmem>>) offsets(%dma_start3A_167 : memref<128xi32, #tpu.memory_space<vmem>>) semaphore(%arg8 : memref<!tpu.dma_semaphore, #tpu.memory_space<semaphore_mem>>)
      %dma_start3A_171 = arith.constant 2432 : i32
      %dma_start3A_172 = arith.constant 0 : i32
      %dma_start3A_173 = tpu.memref_slice %arg7[%dma_start3A_171, %dma_start3A_172] : memref<2560x32xf32, #tpu.memory_space<vmem>> -> memref<128x32xf32, #tpu.memory_space<vmem>>
      %dma_start3A_174 = arith.constant 2432 : i32
      %dma_start3A_175 = tpu.memref_slice %arg6[%dma_start3A_174] : memref<2560xi32, #tpu.memory_space<vmem>> -> memref<128xi32, #tpu.memory_space<vmem>>
      %dma_start3A_176 = arith.constant 0 : i32
      %dma_start3A_177 = arith.constant 0 : i32
      %dma_start3A_178 = tpu.memref_slice %arg2[%dma_start3A_176, %dma_start3A_177] : memref<1015808x32xf32, #tpu.memory_space<hbm>> -> memref<1015808x32xf32, #tpu.memory_space<hbm>>
      tpu.enqueue_indirect_dma source(%dma_start3A_178 : memref<1015808x32xf32, #tpu.memory_space<hbm>>) target(%dma_start3A_173 : memref<128x32xf32, #tpu.memory_space<vmem>>) offsets(%dma_start3A_175 : memref<128xi32, #tpu.memory_space<vmem>>) semaphore(%arg8 : memref<!tpu.dma_semaphore, #tpu.memory_space<semaphore_mem>>)
      %dma_wait3A = arith.constant 0 : i32
      %dma_wait3A_179 = arith.constant 0 : i32
      %dma_wait3A_180 = tpu.memref_slice %arg7[%dma_wait3A, %dma_wait3A_179] : memref<2560x32xf32, #tpu.memory_space<vmem>> -> memref<128x32xf32, #tpu.memory_space<vmem>>
      %dma_wait3A_181 = arith.constant 0 : i32
      %dma_wait3A_182 = tpu.memref_slice %arg6[%dma_wait3A_181] : memref<2560xi32, #tpu.memory_space<vmem>> -> memref<128xi32, #tpu.memory_space<vmem>>
      %dma_wait3A_183 = arith.constant 0 : i32
      %dma_wait3A_184 = arith.constant 0 : i32
      %dma_wait3A_185 = tpu.memref_slice %arg2[%dma_wait3A_183, %dma_wait3A_184] : memref<1015808x32xf32, #tpu.memory_space<hbm>> -> memref<1015808x32xf32, #tpu.memory_space<hbm>>
      tpu.wait_indirect_dma semaphore(%arg8 : memref<!tpu.dma_semaphore, #tpu.memory_space<semaphore_mem>>) src(%dma_wait3A_185 : memref<1015808x32xf32, #tpu.memory_space<hbm>>) dst(%dma_wait3A_180 : memref<128x32xf32, #tpu.memory_space<vmem>>)
      %dma_wait3A_186 = arith.constant 128 : i32
      %dma_wait3A_187 = arith.constant 0 : i32
      %dma_wait3A_188 = tpu.memref_slice %arg7[%dma_wait3A_186, %dma_wait3A_187] : memref<2560x32xf32, #tpu.memory_space<vmem>> -> memref<128x32xf32, #tpu.memory_space<vmem>>
      %dma_wait3A_189 = arith.constant 128 : i32
      %dma_wait3A_190 = tpu.memref_slice %arg6[%dma_wait3A_189] : memref<2560xi32, #tpu.memory_space<vmem>> -> memref<128xi32, #tpu.memory_space<vmem>>
      %dma_wait3A_191 = arith.constant 0 : i32
      %dma_wait3A_192 = arith.constant 0 : i32
      %dma_wait3A_193 = tpu.memref_slice %arg2[%dma_wait3A_191, %dma_wait3A_192] : memref<1015808x32xf32, #tpu.memory_space<hbm>> -> memref<1015808x32xf32, #tpu.memory_space<hbm>>
      tpu.wait_indirect_dma semaphore(%arg8 : memref<!tpu.dma_semaphore, #tpu.memory_space<semaphore_mem>>) src(%dma_wait3A_193 : memref<1015808x32xf32, #tpu.memory_space<hbm>>) dst(%dma_wait3A_188 : memref<128x32xf32, #tpu.memory_space<vmem>>)
      %dma_wait3A_194 = arith.constant 256 : i32
      %dma_wait3A_195 = arith.constant 0 : i32
      %dma_wait3A_196 = tpu.memref_slice %arg7[%dma_wait3A_194, %dma_wait3A_195] : memref<2560x32xf32, #tpu.memory_space<vmem>> -> memref<128x32xf32, #tpu.memory_space<vmem>>
      %dma_wait3A_197 = arith.constant 256 : i32
      %dma_wait3A_198 = tpu.memref_slice %arg6[%dma_wait3A_197] : memref<2560xi32, #tpu.memory_space<vmem>> -> memref<128xi32, #tpu.memory_space<vmem>>
      %dma_wait3A_199 = arith.constant 0 : i32
      %dma_wait3A_200 = arith.constant 0 : i32
      %dma_wait3A_201 = tpu.memref_slice %arg2[%dma_wait3A_199, %dma_wait3A_200] : memref<1015808x32xf32, #tpu.memory_space<hbm>> -> memref<1015808x32xf32, #tpu.memory_space<hbm>>
      tpu.wait_indirect_dma semaphore(%arg8 : memref<!tpu.dma_semaphore, #tpu.memory_space<semaphore_mem>>) src(%dma_wait3A_201 : memref<1015808x32xf32, #tpu.memory_space<hbm>>) dst(%dma_wait3A_196 : memref<128x32xf32, #tpu.memory_space<vmem>>)
      %dma_wait3A_202 = arith.constant 384 : i32
      %dma_wait3A_203 = arith.constant 0 : i32
      %dma_wait3A_204 = tpu.memref_slice %arg7[%dma_wait3A_202, %dma_wait3A_203] : memref<2560x32xf32, #tpu.memory_space<vmem>> -> memref<128x32xf32, #tpu.memory_space<vmem>>
      %dma_wait3A_205 = arith.constant 384 : i32
      %dma_wait3A_206 = tpu.memref_slice %arg6[%dma_wait3A_205] : memref<2560xi32, #tpu.memory_space<vmem>> -> memref<128xi32, #tpu.memory_space<vmem>>
      %dma_wait3A_207 = arith.constant 0 : i32
      %dma_wait3A_208 = arith.constant 0 : i32
      %dma_wait3A_209 = tpu.memref_slice %arg2[%dma_wait3A_207, %dma_wait3A_208] : memref<1015808x32xf32, #tpu.memory_space<hbm>> -> memref<1015808x32xf32, #tpu.memory_space<hbm>>
      tpu.wait_indirect_dma semaphore(%arg8 : memref<!tpu.dma_semaphore, #tpu.memory_space<semaphore_mem>>) src(%dma_wait3A_209 : memref<1015808x32xf32, #tpu.memory_space<hbm>>) dst(%dma_wait3A_204 : memref<128x32xf32, #tpu.memory_space<vmem>>)
      %dma_wait3A_210 = arith.constant 512 : i32
      %dma_wait3A_211 = arith.constant 0 : i32
      %dma_wait3A_212 = tpu.memref_slice %arg7[%dma_wait3A_210, %dma_wait3A_211] : memref<2560x32xf32, #tpu.memory_space<vmem>> -> memref<128x32xf32, #tpu.memory_space<vmem>>
      %dma_wait3A_213 = arith.constant 512 : i32
      %dma_wait3A_214 = tpu.memref_slice %arg6[%dma_wait3A_213] : memref<2560xi32, #tpu.memory_space<vmem>> -> memref<128xi32, #tpu.memory_space<vmem>>
      %dma_wait3A_215 = arith.constant 0 : i32
      %dma_wait3A_216 = arith.constant 0 : i32
      %dma_wait3A_217 = tpu.memref_slice %arg2[%dma_wait3A_215, %dma_wait3A_216] : memref<1015808x32xf32, #tpu.memory_space<hbm>> -> memref<1015808x32xf32, #tpu.memory_space<hbm>>
      tpu.wait_indirect_dma semaphore(%arg8 : memref<!tpu.dma_semaphore, #tpu.memory_space<semaphore_mem>>) src(%dma_wait3A_217 : memref<1015808x32xf32, #tpu.memory_space<hbm>>) dst(%dma_wait3A_212 : memref<128x32xf32, #tpu.memory_space<vmem>>)
      %dma_wait3A_218 = arith.constant 640 : i32
      %dma_wait3A_219 = arith.constant 0 : i32
      %dma_wait3A_220 = tpu.memref_slice %arg7[%dma_wait3A_218, %dma_wait3A_219] : memref<2560x32xf32, #tpu.memory_space<vmem>> -> memref<128x32xf32, #tpu.memory_space<vmem>>
      %dma_wait3A_221 = arith.constant 640 : i32
      %dma_wait3A_222 = tpu.memref_slice %arg6[%dma_wait3A_221] : memref<2560xi32, #tpu.memory_space<vmem>> -> memref<128xi32, #tpu.memory_space<vmem>>
      %dma_wait3A_223 = arith.constant 0 : i32
      %dma_wait3A_224 = arith.constant 0 : i32
      %dma_wait3A_225 = tpu.memref_slice %arg2[%dma_wait3A_223, %dma_wait3A_224] : memref<1015808x32xf32, #tpu.memory_space<hbm>> -> memref<1015808x32xf32, #tpu.memory_space<hbm>>
      tpu.wait_indirect_dma semaphore(%arg8 : memref<!tpu.dma_semaphore, #tpu.memory_space<semaphore_mem>>) src(%dma_wait3A_225 : memref<1015808x32xf32, #tpu.memory_space<hbm>>) dst(%dma_wait3A_220 : memref<128x32xf32, #tpu.memory_space<vmem>>)
      %dma_wait3A_226 = arith.constant 768 : i32
      %dma_wait3A_227 = arith.constant 0 : i32
      %dma_wait3A_228 = tpu.memref_slice %arg7[%dma_wait3A_226, %dma_wait3A_227] : memref<2560x32xf32, #tpu.memory_space<vmem>> -> memref<128x32xf32, #tpu.memory_space<vmem>>
      %dma_wait3A_229 = arith.constant 768 : i32
      %dma_wait3A_230 = tpu.memref_slice %arg6[%dma_wait3A_229] : memref<2560xi32, #tpu.memory_space<vmem>> -> memref<128xi32, #tpu.memory_space<vmem>>
      %dma_wait3A_231 = arith.constant 0 : i32
      %dma_wait3A_232 = arith.constant 0 : i32
      %dma_wait3A_233 = tpu.memref_slice %arg2[%dma_wait3A_231, %dma_wait3A_232] : memref<1015808x32xf32, #tpu.memory_space<hbm>> -> memref<1015808x32xf32, #tpu.memory_space<hbm>>
      tpu.wait_indirect_dma semaphore(%arg8 : memref<!tpu.dma_semaphore, #tpu.memory_space<semaphore_mem>>) src(%dma_wait3A_233 : memref<1015808x32xf32, #tpu.memory_space<hbm>>) dst(%dma_wait3A_228 : memref<128x32xf32, #tpu.memory_space<vmem>>)
      %dma_wait3A_234 = arith.constant 896 : i32
      %dma_wait3A_235 = arith.constant 0 : i32
      %dma_wait3A_236 = tpu.memref_slice %arg7[%dma_wait3A_234, %dma_wait3A_235] : memref<2560x32xf32, #tpu.memory_space<vmem>> -> memref<128x32xf32, #tpu.memory_space<vmem>>
      %dma_wait3A_237 = arith.constant 896 : i32
      %dma_wait3A_238 = tpu.memref_slice %arg6[%dma_wait3A_237] : memref<2560xi32, #tpu.memory_space<vmem>> -> memref<128xi32, #tpu.memory_space<vmem>>
      %dma_wait3A_239 = arith.constant 0 : i32
      %dma_wait3A_240 = arith.constant 0 : i32
      %dma_wait3A_241 = tpu.memref_slice %arg2[%dma_wait3A_239, %dma_wait3A_240] : memref<1015808x32xf32, #tpu.memory_space<hbm>> -> memref<1015808x32xf32, #tpu.memory_space<hbm>>
      tpu.wait_indirect_dma semaphore(%arg8 : memref<!tpu.dma_semaphore, #tpu.memory_space<semaphore_mem>>) src(%dma_wait3A_241 : memref<1015808x32xf32, #tpu.memory_space<hbm>>) dst(%dma_wait3A_236 : memref<128x32xf32, #tpu.memory_space<vmem>>)
      %dma_wait3A_242 = arith.constant 1024 : i32
      %dma_wait3A_243 = arith.constant 0 : i32
      %dma_wait3A_244 = tpu.memref_slice %arg7[%dma_wait3A_242, %dma_wait3A_243] : memref<2560x32xf32, #tpu.memory_space<vmem>> -> memref<128x32xf32, #tpu.memory_space<vmem>>
      %dma_wait3A_245 = arith.constant 1024 : i32
      %dma_wait3A_246 = tpu.memref_slice %arg6[%dma_wait3A_245] : memref<2560xi32, #tpu.memory_space<vmem>> -> memref<128xi32, #tpu.memory_space<vmem>>
      %dma_wait3A_247 = arith.constant 0 : i32
      %dma_wait3A_248 = arith.constant 0 : i32
      %dma_wait3A_249 = tpu.memref_slice %arg2[%dma_wait3A_247, %dma_wait3A_248] : memref<1015808x32xf32, #tpu.memory_space<hbm>> -> memref<1015808x32xf32, #tpu.memory_space<hbm>>
      tpu.wait_indirect_dma semaphore(%arg8 : memref<!tpu.dma_semaphore, #tpu.memory_space<semaphore_mem>>) src(%dma_wait3A_249 : memref<1015808x32xf32, #tpu.memory_space<hbm>>) dst(%dma_wait3A_244 : memref<128x32xf32, #tpu.memory_space<vmem>>)
      %dma_wait3A_250 = arith.constant 1152 : i32
      %dma_wait3A_251 = arith.constant 0 : i32
      %dma_wait3A_252 = tpu.memref_slice %arg7[%dma_wait3A_250, %dma_wait3A_251] : memref<2560x32xf32, #tpu.memory_space<vmem>> -> memref<128x32xf32, #tpu.memory_space<vmem>>
      %dma_wait3A_253 = arith.constant 1152 : i32
      %dma_wait3A_254 = tpu.memref_slice %arg6[%dma_wait3A_253] : memref<2560xi32, #tpu.memory_space<vmem>> -> memref<128xi32, #tpu.memory_space<vmem>>
      %dma_wait3A_255 = arith.constant 0 : i32
      %dma_wait3A_256 = arith.constant 0 : i32
      %dma_wait3A_257 = tpu.memref_slice %arg2[%dma_wait3A_255, %dma_wait3A_256] : memref<1015808x32xf32, #tpu.memory_space<hbm>> -> memref<1015808x32xf32, #tpu.memory_space<hbm>>
      tpu.wait_indirect_dma semaphore(%arg8 : memref<!tpu.dma_semaphore, #tpu.memory_space<semaphore_mem>>) src(%dma_wait3A_257 : memref<1015808x32xf32, #tpu.memory_space<hbm>>) dst(%dma_wait3A_252 : memref<128x32xf32, #tpu.memory_space<vmem>>)
      %dma_wait3A_258 = arith.constant 1280 : i32
      %dma_wait3A_259 = arith.constant 0 : i32
      %dma_wait3A_260 = tpu.memref_slice %arg7[%dma_wait3A_258, %dma_wait3A_259] : memref<2560x32xf32, #tpu.memory_space<vmem>> -> memref<128x32xf32, #tpu.memory_space<vmem>>
      %dma_wait3A_261 = arith.constant 1280 : i32
      %dma_wait3A_262 = tpu.memref_slice %arg6[%dma_wait3A_261] : memref<2560xi32, #tpu.memory_space<vmem>> -> memref<128xi32, #tpu.memory_space<vmem>>
      %dma_wait3A_263 = arith.constant 0 : i32
      %dma_wait3A_264 = arith.constant 0 : i32
      %dma_wait3A_265 = tpu.memref_slice %arg2[%dma_wait3A_263, %dma_wait3A_264] : memref<1015808x32xf32, #tpu.memory_space<hbm>> -> memref<1015808x32xf32, #tpu.memory_space<hbm>>
      tpu.wait_indirect_dma semaphore(%arg8 : memref<!tpu.dma_semaphore, #tpu.memory_space<semaphore_mem>>) src(%dma_wait3A_265 : memref<1015808x32xf32, #tpu.memory_space<hbm>>) dst(%dma_wait3A_260 : memref<128x32xf32, #tpu.memory_space<vmem>>)
      %dma_wait3A_266 = arith.constant 1408 : i32
      %dma_wait3A_267 = arith.constant 0 : i32
      %dma_wait3A_268 = tpu.memref_slice %arg7[%dma_wait3A_266, %dma_wait3A_267] : memref<2560x32xf32, #tpu.memory_space<vmem>> -> memref<128x32xf32, #tpu.memory_space<vmem>>
      %dma_wait3A_269 = arith.constant 1408 : i32
      %dma_wait3A_270 = tpu.memref_slice %arg6[%dma_wait3A_269] : memref<2560xi32, #tpu.memory_space<vmem>> -> memref<128xi32, #tpu.memory_space<vmem>>
      %dma_wait3A_271 = arith.constant 0 : i32
      %dma_wait3A_272 = arith.constant 0 : i32
      %dma_wait3A_273 = tpu.memref_slice %arg2[%dma_wait3A_271, %dma_wait3A_272] : memref<1015808x32xf32, #tpu.memory_space<hbm>> -> memref<1015808x32xf32, #tpu.memory_space<hbm>>
      tpu.wait_indirect_dma semaphore(%arg8 : memref<!tpu.dma_semaphore, #tpu.memory_space<semaphore_mem>>) src(%dma_wait3A_273 : memref<1015808x32xf32, #tpu.memory_space<hbm>>) dst(%dma_wait3A_268 : memref<128x32xf32, #tpu.memory_space<vmem>>)
      %dma_wait3A_274 = arith.constant 1536 : i32
      %dma_wait3A_275 = arith.constant 0 : i32
      %dma_wait3A_276 = tpu.memref_slice %arg7[%dma_wait3A_274, %dma_wait3A_275] : memref<2560x32xf32, #tpu.memory_space<vmem>> -> memref<128x32xf32, #tpu.memory_space<vmem>>
      %dma_wait3A_277 = arith.constant 1536 : i32
      %dma_wait3A_278 = tpu.memref_slice %arg6[%dma_wait3A_277] : memref<2560xi32, #tpu.memory_space<vmem>> -> memref<128xi32, #tpu.memory_space<vmem>>
      %dma_wait3A_279 = arith.constant 0 : i32
      %dma_wait3A_280 = arith.constant 0 : i32
      %dma_wait3A_281 = tpu.memref_slice %arg2[%dma_wait3A_279, %dma_wait3A_280] : memref<1015808x32xf32, #tpu.memory_space<hbm>> -> memref<1015808x32xf32, #tpu.memory_space<hbm>>
      tpu.wait_indirect_dma semaphore(%arg8 : memref<!tpu.dma_semaphore, #tpu.memory_space<semaphore_mem>>) src(%dma_wait3A_281 : memref<1015808x32xf32, #tpu.memory_space<hbm>>) dst(%dma_wait3A_276 : memref<128x32xf32, #tpu.memory_space<vmem>>)
      %dma_wait3A_282 = arith.constant 1664 : i32
      %dma_wait3A_283 = arith.constant 0 : i32
      %dma_wait3A_284 = tpu.memref_slice %arg7[%dma_wait3A_282, %dma_wait3A_283] : memref<2560x32xf32, #tpu.memory_space<vmem>> -> memref<128x32xf32, #tpu.memory_space<vmem>>
      %dma_wait3A_285 = arith.constant 1664 : i32
      %dma_wait3A_286 = tpu.memref_slice %arg6[%dma_wait3A_285] : memref<2560xi32, #tpu.memory_space<vmem>> -> memref<128xi32, #tpu.memory_space<vmem>>
      %dma_wait3A_287 = arith.constant 0 : i32
      %dma_wait3A_288 = arith.constant 0 : i32
      %dma_wait3A_289 = tpu.memref_slice %arg2[%dma_wait3A_287, %dma_wait3A_288] : memref<1015808x32xf32, #tpu.memory_space<hbm>> -> memref<1015808x32xf32, #tpu.memory_space<hbm>>
      tpu.wait_indirect_dma semaphore(%arg8 : memref<!tpu.dma_semaphore, #tpu.memory_space<semaphore_mem>>) src(%dma_wait3A_289 : memref<1015808x32xf32, #tpu.memory_space<hbm>>) dst(%dma_wait3A_284 : memref<128x32xf32, #tpu.memory_space<vmem>>)
      %dma_wait3A_290 = arith.constant 1792 : i32
      %dma_wait3A_291 = arith.constant 0 : i32
      %dma_wait3A_292 = tpu.memref_slice %arg7[%dma_wait3A_290, %dma_wait3A_291] : memref<2560x32xf32, #tpu.memory_space<vmem>> -> memref<128x32xf32, #tpu.memory_space<vmem>>
      %dma_wait3A_293 = arith.constant 1792 : i32
      %dma_wait3A_294 = tpu.memref_slice %arg6[%dma_wait3A_293] : memref<2560xi32, #tpu.memory_space<vmem>> -> memref<128xi32, #tpu.memory_space<vmem>>
      %dma_wait3A_295 = arith.constant 0 : i32
      %dma_wait3A_296 = arith.constant 0 : i32
      %dma_wait3A_297 = tpu.memref_slice %arg2[%dma_wait3A_295, %dma_wait3A_296] : memref<1015808x32xf32, #tpu.memory_space<hbm>> -> memref<1015808x32xf32, #tpu.memory_space<hbm>>
      tpu.wait_indirect_dma semaphore(%arg8 : memref<!tpu.dma_semaphore, #tpu.memory_space<semaphore_mem>>) src(%dma_wait3A_297 : memref<1015808x32xf32, #tpu.memory_space<hbm>>) dst(%dma_wait3A_292 : memref<128x32xf32, #tpu.memory_space<vmem>>)
      %dma_wait3A_298 = arith.constant 1920 : i32
      %dma_wait3A_299 = arith.constant 0 : i32
      %dma_wait3A_300 = tpu.memref_slice %arg7[%dma_wait3A_298, %dma_wait3A_299] : memref<2560x32xf32, #tpu.memory_space<vmem>> -> memref<128x32xf32, #tpu.memory_space<vmem>>
      %dma_wait3A_301 = arith.constant 1920 : i32
      %dma_wait3A_302 = tpu.memref_slice %arg6[%dma_wait3A_301] : memref<2560xi32, #tpu.memory_space<vmem>> -> memref<128xi32, #tpu.memory_space<vmem>>
      %dma_wait3A_303 = arith.constant 0 : i32
      %dma_wait3A_304 = arith.constant 0 : i32
      %dma_wait3A_305 = tpu.memref_slice %arg2[%dma_wait3A_303, %dma_wait3A_304] : memref<1015808x32xf32, #tpu.memory_space<hbm>> -> memref<1015808x32xf32, #tpu.memory_space<hbm>>
      tpu.wait_indirect_dma semaphore(%arg8 : memref<!tpu.dma_semaphore, #tpu.memory_space<semaphore_mem>>) src(%dma_wait3A_305 : memref<1015808x32xf32, #tpu.memory_space<hbm>>) dst(%dma_wait3A_300 : memref<128x32xf32, #tpu.memory_space<vmem>>)
      %dma_wait3A_306 = arith.constant 2048 : i32
      %dma_wait3A_307 = arith.constant 0 : i32
      %dma_wait3A_308 = tpu.memref_slice %arg7[%dma_wait3A_306, %dma_wait3A_307] : memref<2560x32xf32, #tpu.memory_space<vmem>> -> memref<128x32xf32, #tpu.memory_space<vmem>>
      %dma_wait3A_309 = arith.constant 2048 : i32
      %dma_wait3A_310 = tpu.memref_slice %arg6[%dma_wait3A_309] : memref<2560xi32, #tpu.memory_space<vmem>> -> memref<128xi32, #tpu.memory_space<vmem>>
      %dma_wait3A_311 = arith.constant 0 : i32
      %dma_wait3A_312 = arith.constant 0 : i32
      %dma_wait3A_313 = tpu.memref_slice %arg2[%dma_wait3A_311, %dma_wait3A_312] : memref<1015808x32xf32, #tpu.memory_space<hbm>> -> memref<1015808x32xf32, #tpu.memory_space<hbm>>
      tpu.wait_indirect_dma semaphore(%arg8 : memref<!tpu.dma_semaphore, #tpu.memory_space<semaphore_mem>>) src(%dma_wait3A_313 : memref<1015808x32xf32, #tpu.memory_space<hbm>>) dst(%dma_wait3A_308 : memref<128x32xf32, #tpu.memory_space<vmem>>)
      %dma_wait3A_314 = arith.constant 2176 : i32
      %dma_wait3A_315 = arith.constant 0 : i32
      %dma_wait3A_316 = tpu.memref_slice %arg7[%dma_wait3A_314, %dma_wait3A_315] : memref<2560x32xf32, #tpu.memory_space<vmem>> -> memref<128x32xf32, #tpu.memory_space<vmem>>
      %dma_wait3A_317 = arith.constant 2176 : i32
      %dma_wait3A_318 = tpu.memref_slice %arg6[%dma_wait3A_317] : memref<2560xi32, #tpu.memory_space<vmem>> -> memref<128xi32, #tpu.memory_space<vmem>>
      %dma_wait3A_319 = arith.constant 0 : i32
      %dma_wait3A_320 = arith.constant 0 : i32
      %dma_wait3A_321 = tpu.memref_slice %arg2[%dma_wait3A_319, %dma_wait3A_320] : memref<1015808x32xf32, #tpu.memory_space<hbm>> -> memref<1015808x32xf32, #tpu.memory_space<hbm>>
      tpu.wait_indirect_dma semaphore(%arg8 : memref<!tpu.dma_semaphore, #tpu.memory_space<semaphore_mem>>) src(%dma_wait3A_321 : memref<1015808x32xf32, #tpu.memory_space<hbm>>) dst(%dma_wait3A_316 : memref<128x32xf32, #tpu.memory_space<vmem>>)
      %dma_wait3A_322 = arith.constant 2304 : i32
      %dma_wait3A_323 = arith.constant 0 : i32
      %dma_wait3A_324 = tpu.memref_slice %arg7[%dma_wait3A_322, %dma_wait3A_323] : memref<2560x32xf32, #tpu.memory_space<vmem>> -> memref<128x32xf32, #tpu.memory_space<vmem>>
      %dma_wait3A_325 = arith.constant 2304 : i32
      %dma_wait3A_326 = tpu.memref_slice %arg6[%dma_wait3A_325] : memref<2560xi32, #tpu.memory_space<vmem>> -> memref<128xi32, #tpu.memory_space<vmem>>
      %dma_wait3A_327 = arith.constant 0 : i32
      %dma_wait3A_328 = arith.constant 0 : i32
      %dma_wait3A_329 = tpu.memref_slice %arg2[%dma_wait3A_327, %dma_wait3A_328] : memref<1015808x32xf32, #tpu.memory_space<hbm>> -> memref<1015808x32xf32, #tpu.memory_space<hbm>>
      tpu.wait_indirect_dma semaphore(%arg8 : memref<!tpu.dma_semaphore, #tpu.memory_space<semaphore_mem>>) src(%dma_wait3A_329 : memref<1015808x32xf32, #tpu.memory_space<hbm>>) dst(%dma_wait3A_324 : memref<128x32xf32, #tpu.memory_space<vmem>>)
      %dma_wait3A_330 = arith.constant 2432 : i32
      %dma_wait3A_331 = arith.constant 0 : i32
      %dma_wait3A_332 = tpu.memref_slice %arg7[%dma_wait3A_330, %dma_wait3A_331] : memref<2560x32xf32, #tpu.memory_space<vmem>> -> memref<128x32xf32, #tpu.memory_space<vmem>>
      %dma_wait3A_333 = arith.constant 2432 : i32
      %dma_wait3A_334 = tpu.memref_slice %arg6[%dma_wait3A_333] : memref<2560xi32, #tpu.memory_space<vmem>> -> memref<128xi32, #tpu.memory_space<vmem>>
      %dma_wait3A_335 = arith.constant 0 : i32
      %dma_wait3A_336 = arith.constant 0 : i32
      %dma_wait3A_337 = tpu.memref_slice %arg2[%dma_wait3A_335, %dma_wait3A_336] : memref<1015808x32xf32, #tpu.memory_space<hbm>> -> memref<1015808x32xf32, #tpu.memory_space<hbm>>
      tpu.wait_indirect_dma semaphore(%arg8 : memref<!tpu.dma_semaphore, #tpu.memory_space<semaphore_mem>>) src(%dma_wait3A_337 : memref<1015808x32xf32, #tpu.memory_space<hbm>>) dst(%dma_wait3A_332 : memref<128x32xf32, #tpu.memory_space<vmem>>)
      %add3A_338 = arith.constant 0 : i32
      %add3A_339 = arith.addi %add3A_338, %add3A_14 : i32
      "tpu.region"() ({
        %run_scoped3A = tpu.sem_alloc : memref<!tpu.dma_semaphore, #tpu.memory_space<semaphore_mem>>
        %dma_start3A_378 = arith.constant 0 : i32
        %dma_start3A_379 = arith.constant 0 : i32
        %dma_start3A_380 = tpu.memref_slice %arg7[%dma_start3A_378, %dma_start3A_379] : memref<2560x32xf32, #tpu.memory_space<vmem>> -> memref<128x32xf32, #tpu.memory_space<vmem>>
        %dma_start3A_381 = arith.constant 0 : i32
        %dma_start3A_382 = tpu.memref_slice %arg4[%add3A_339, %dma_start3A_381] : memref<81920x128xf32, #tpu.memory_space<hbm>> -> memref<128x32xf32, #tpu.memory_space<hbm>>
        %dma_start3A_383 = arith.constant 0 : i32
        %dma_start3A_384 = tpu.memref_slice %arg4[%add3A_339, %dma_start3A_383] : memref<81920x128xf32, #tpu.memory_space<hbm>> -> memref<128x32xf32, #tpu.memory_space<hbm>>
        %dma_start3A_385 = arith.constant 0 : i32
        %dma_start3A_386 = arith.constant 0 : i32
        %dma_start3A_387 = tpu.memref_slice %arg7[%dma_start3A_385, %dma_start3A_386] : memref<2560x32xf32, #tpu.memory_space<vmem>> -> memref<128x32xf32, #tpu.memory_space<vmem>>
        tpu.enqueue_dma source(%dma_start3A_387 : memref<128x32xf32, #tpu.memory_space<vmem>>) target(%dma_start3A_384 : memref<128x32xf32, #tpu.memory_space<hbm>>) target_semaphore(%run_scoped3A : memref<!tpu.dma_semaphore, #tpu.memory_space<semaphore_mem>>)
        %dma_wait3A_388 = arith.constant 0 : i32
        %dma_wait3A_389 = arith.constant 0 : i32
        %dma_wait3A_390 = tpu.memref_slice %arg7[%dma_wait3A_388, %dma_wait3A_389] : memref<2560x32xf32, #tpu.memory_space<vmem>> -> memref<128x32xf32, #tpu.memory_space<vmem>>
        %dma_wait3A_391 = arith.constant 0 : i32
        %dma_wait3A_392 = tpu.memref_slice %arg4[%add3A_339, %dma_wait3A_391] : memref<81920x128xf32, #tpu.memory_space<hbm>> -> memref<128x32xf32, #tpu.memory_space<hbm>>
        %dma_wait3A_393 = arith.constant 0 : i32
        %dma_wait3A_394 = tpu.memref_slice %arg4[%add3A_339, %dma_wait3A_393] : memref<81920x128xf32, #tpu.memory_space<hbm>> -> memref<128x32xf32, #tpu.memory_space<hbm>>
        %dma_wait3A_395 = arith.constant 0 : i32
        %dma_wait3A_396 = arith.constant 0 : i32
        %dma_wait3A_397 = tpu.memref_slice %arg7[%dma_wait3A_395, %dma_wait3A_396] : memref<2560x32xf32, #tpu.memory_space<vmem>> -> memref<128x32xf32, #tpu.memory_space<vmem>>
        tpu.wait_dma2 semaphore(%run_scoped3A : memref<!tpu.dma_semaphore, #tpu.memory_space<semaphore_mem>>) src(%dma_wait3A_397 : memref<128x32xf32, #tpu.memory_space<vmem>>) dst(%dma_wait3A_394 : memref<128x32xf32, #tpu.memory_space<hbm>>)
        tpu.yield
      }) : () -> ()
      %add3A_340 = arith.constant 0 : i32
      %add3A_341 = arith.addi %add3A_340, %add3A_14 : i32
      "tpu.region"() ({
        %run_scoped3A = tpu.sem_alloc : memref<!tpu.dma_semaphore, #tpu.memory_space<semaphore_mem>>
        %dma_start3A_378 = arith.constant 128 : i32
        %dma_start3A_379 = arith.constant 0 : i32
        %dma_start3A_380 = tpu.memref_slice %arg7[%dma_start3A_378, %dma_start3A_379] : memref<2560x32xf32, #tpu.memory_space<vmem>> -> memref<128x32xf32, #tpu.memory_space<vmem>>
        %dma_start3A_381 = arith.constant 32 : i32
        %dma_start3A_382 = tpu.memref_slice %arg4[%add3A_341, %dma_start3A_381] : memref<81920x128xf32, #tpu.memory_space<hbm>> -> memref<128x32xf32, #tpu.memory_space<hbm>>
        %dma_start3A_383 = arith.constant 32 : i32
        %dma_start3A_384 = tpu.memref_slice %arg4[%add3A_341, %dma_start3A_383] : memref<81920x128xf32, #tpu.memory_space<hbm>> -> memref<128x32xf32, #tpu.memory_space<hbm>>
        %dma_start3A_385 = arith.constant 128 : i32
        %dma_start3A_386 = arith.constant 0 : i32
        %dma_start3A_387 = tpu.memref_slice %arg7[%dma_start3A_385, %dma_start3A_386] : memref<2560x32xf32, #tpu.memory_space<vmem>> -> memref<128x32xf32, #tpu.memory_space<vmem>>
        tpu.enqueue_dma source(%dma_start3A_387 : memref<128x32xf32, #tpu.memory_space<vmem>>) target(%dma_start3A_384 : memref<128x32xf32, #tpu.memory_space<hbm>>) target_semaphore(%run_scoped3A : memref<!tpu.dma_semaphore, #tpu.memory_space<semaphore_mem>>)
        %dma_wait3A_388 = arith.constant 128 : i32
        %dma_wait3A_389 = arith.constant 0 : i32
        %dma_wait3A_390 = tpu.memref_slice %arg7[%dma_wait3A_388, %dma_wait3A_389] : memref<2560x32xf32, #tpu.memory_space<vmem>> -> memref<128x32xf32, #tpu.memory_space<vmem>>
        %dma_wait3A_391 = arith.constant 32 : i32
        %dma_wait3A_392 = tpu.memref_slice %arg4[%add3A_341, %dma_wait3A_391] : memref<81920x128xf32, #tpu.memory_space<hbm>> -> memref<128x32xf32, #tpu.memory_space<hbm>>
        %dma_wait3A_393 = arith.constant 32 : i32
        %dma_wait3A_394 = tpu.memref_slice %arg4[%add3A_341, %dma_wait3A_393] : memref<81920x128xf32, #tpu.memory_space<hbm>> -> memref<128x32xf32, #tpu.memory_space<hbm>>
        %dma_wait3A_395 = arith.constant 128 : i32
        %dma_wait3A_396 = arith.constant 0 : i32
        %dma_wait3A_397 = tpu.memref_slice %arg7[%dma_wait3A_395, %dma_wait3A_396] : memref<2560x32xf32, #tpu.memory_space<vmem>> -> memref<128x32xf32, #tpu.memory_space<vmem>>
        tpu.wait_dma2 semaphore(%run_scoped3A : memref<!tpu.dma_semaphore, #tpu.memory_space<semaphore_mem>>) src(%dma_wait3A_397 : memref<128x32xf32, #tpu.memory_space<vmem>>) dst(%dma_wait3A_394 : memref<128x32xf32, #tpu.memory_space<hbm>>)
        tpu.yield
      }) : () -> ()
      %add3A_342 = arith.constant 0 : i32
      %add3A_343 = arith.addi %add3A_342, %add3A_14 : i32
      "tpu.region"() ({
        %run_scoped3A = tpu.sem_alloc : memref<!tpu.dma_semaphore, #tpu.memory_space<semaphore_mem>>
        %dma_start3A_378 = arith.constant 256 : i32
        %dma_start3A_379 = arith.constant 0 : i32
        %dma_start3A_380 = tpu.memref_slice %arg7[%dma_start3A_378, %dma_start3A_379] : memref<2560x32xf32, #tpu.memory_space<vmem>> -> memref<128x32xf32, #tpu.memory_space<vmem>>
        %dma_start3A_381 = arith.constant 64 : i32
        %dma_start3A_382 = tpu.memref_slice %arg4[%add3A_343, %dma_start3A_381] : memref<81920x128xf32, #tpu.memory_space<hbm>> -> memref<128x32xf32, #tpu.memory_space<hbm>>
        %dma_start3A_383 = arith.constant 64 : i32
        %dma_start3A_384 = tpu.memref_slice %arg4[%add3A_343, %dma_start3A_383] : memref<81920x128xf32, #tpu.memory_space<hbm>> -> memref<128x32xf32, #tpu.memory_space<hbm>>
        %dma_start3A_385 = arith.constant 256 : i32
        %dma_start3A_386 = arith.constant 0 : i32
        %dma_start3A_387 = tpu.memref_slice %arg7[%dma_start3A_385, %dma_start3A_386] : memref<2560x32xf32, #tpu.memory_space<vmem>> -> memref<128x32xf32, #tpu.memory_space<vmem>>
        tpu.enqueue_dma source(%dma_start3A_387 : memref<128x32xf32, #tpu.memory_space<vmem>>) target(%dma_start3A_384 : memref<128x32xf32, #tpu.memory_space<hbm>>) target_semaphore(%run_scoped3A : memref<!tpu.dma_semaphore, #tpu.memory_space<semaphore_mem>>)
        %dma_wait3A_388 = arith.constant 256 : i32
        %dma_wait3A_389 = arith.constant 0 : i32
        %dma_wait3A_390 = tpu.memref_slice %arg7[%dma_wait3A_388, %dma_wait3A_389] : memref<2560x32xf32, #tpu.memory_space<vmem>> -> memref<128x32xf32, #tpu.memory_space<vmem>>
        %dma_wait3A_391 = arith.constant 64 : i32
        %dma_wait3A_392 = tpu.memref_slice %arg4[%add3A_343, %dma_wait3A_391] : memref<81920x128xf32, #tpu.memory_space<hbm>> -> memref<128x32xf32, #tpu.memory_space<hbm>>
        %dma_wait3A_393 = arith.constant 64 : i32
        %dma_wait3A_394 = tpu.memref_slice %arg4[%add3A_343, %dma_wait3A_393] : memref<81920x128xf32, #tpu.memory_space<hbm>> -> memref<128x32xf32, #tpu.memory_space<hbm>>
        %dma_wait3A_395 = arith.constant 256 : i32
        %dma_wait3A_396 = arith.constant 0 : i32
        %dma_wait3A_397 = tpu.memref_slice %arg7[%dma_wait3A_395, %dma_wait3A_396] : memref<2560x32xf32, #tpu.memory_space<vmem>> -> memref<128x32xf32, #tpu.memory_space<vmem>>
        tpu.wait_dma2 semaphore(%run_scoped3A : memref<!tpu.dma_semaphore, #tpu.memory_space<semaphore_mem>>) src(%dma_wait3A_397 : memref<128x32xf32, #tpu.memory_space<vmem>>) dst(%dma_wait3A_394 : memref<128x32xf32, #tpu.memory_space<hbm>>)
        tpu.yield
      }) : () -> ()
      %add3A_344 = arith.constant 0 : i32
      %add3A_345 = arith.addi %add3A_344, %add3A_14 : i32
      "tpu.region"() ({
        %run_scoped3A = tpu.sem_alloc : memref<!tpu.dma_semaphore, #tpu.memory_space<semaphore_mem>>
        %dma_start3A_378 = arith.constant 384 : i32
        %dma_start3A_379 = arith.constant 0 : i32
        %dma_start3A_380 = tpu.memref_slice %arg7[%dma_start3A_378, %dma_start3A_379] : memref<2560x32xf32, #tpu.memory_space<vmem>> -> memref<128x32xf32, #tpu.memory_space<vmem>>
        %dma_start3A_381 = arith.constant 96 : i32
        %dma_start3A_382 = tpu.memref_slice %arg4[%add3A_345, %dma_start3A_381] : memref<81920x128xf32, #tpu.memory_space<hbm>> -> memref<128x32xf32, #tpu.memory_space<hbm>>
        %dma_start3A_383 = arith.constant 96 : i32
        %dma_start3A_384 = tpu.memref_slice %arg4[%add3A_345, %dma_start3A_383] : memref<81920x128xf32, #tpu.memory_space<hbm>> -> memref<128x32xf32, #tpu.memory_space<hbm>>
        %dma_start3A_385 = arith.constant 384 : i32
        %dma_start3A_386 = arith.constant 0 : i32
        %dma_start3A_387 = tpu.memref_slice %arg7[%dma_start3A_385, %dma_start3A_386] : memref<2560x32xf32, #tpu.memory_space<vmem>> -> memref<128x32xf32, #tpu.memory_space<vmem>>
        tpu.enqueue_dma source(%dma_start3A_387 : memref<128x32xf32, #tpu.memory_space<vmem>>) target(%dma_start3A_384 : memref<128x32xf32, #tpu.memory_space<hbm>>) target_semaphore(%run_scoped3A : memref<!tpu.dma_semaphore, #tpu.memory_space<semaphore_mem>>)
        %dma_wait3A_388 = arith.constant 384 : i32
        %dma_wait3A_389 = arith.constant 0 : i32
        %dma_wait3A_390 = tpu.memref_slice %arg7[%dma_wait3A_388, %dma_wait3A_389] : memref<2560x32xf32, #tpu.memory_space<vmem>> -> memref<128x32xf32, #tpu.memory_space<vmem>>
        %dma_wait3A_391 = arith.constant 96 : i32
        %dma_wait3A_392 = tpu.memref_slice %arg4[%add3A_345, %dma_wait3A_391] : memref<81920x128xf32, #tpu.memory_space<hbm>> -> memref<128x32xf32, #tpu.memory_space<hbm>>
        %dma_wait3A_393 = arith.constant 96 : i32
        %dma_wait3A_394 = tpu.memref_slice %arg4[%add3A_345, %dma_wait3A_393] : memref<81920x128xf32, #tpu.memory_space<hbm>> -> memref<128x32xf32, #tpu.memory_space<hbm>>
        %dma_wait3A_395 = arith.constant 384 : i32
        %dma_wait3A_396 = arith.constant 0 : i32
        %dma_wait3A_397 = tpu.memref_slice %arg7[%dma_wait3A_395, %dma_wait3A_396] : memref<2560x32xf32, #tpu.memory_space<vmem>> -> memref<128x32xf32, #tpu.memory_space<vmem>>
        tpu.wait_dma2 semaphore(%run_scoped3A : memref<!tpu.dma_semaphore, #tpu.memory_space<semaphore_mem>>) src(%dma_wait3A_397 : memref<128x32xf32, #tpu.memory_space<vmem>>) dst(%dma_wait3A_394 : memref<128x32xf32, #tpu.memory_space<hbm>>)
        tpu.yield
      }) : () -> ()
      %add3A_346 = arith.constant 16384 : i32
      %add3A_347 = arith.addi %add3A_346, %add3A_14 : i32
      "tpu.region"() ({
        %run_scoped3A = tpu.sem_alloc : memref<!tpu.dma_semaphore, #tpu.memory_space<semaphore_mem>>
        %dma_start3A_378 = arith.constant 512 : i32
        %dma_start3A_379 = arith.constant 0 : i32
        %dma_start3A_380 = tpu.memref_slice %arg7[%dma_start3A_378, %dma_start3A_379] : memref<2560x32xf32, #tpu.memory_space<vmem>> -> memref<128x32xf32, #tpu.memory_space<vmem>>
        %dma_start3A_381 = arith.constant 0 : i32
        %dma_start3A_382 = tpu.memref_slice %arg4[%add3A_347, %dma_start3A_381] : memref<81920x128xf32, #tpu.memory_space<hbm>> -> memref<128x32xf32, #tpu.memory_space<hbm>>
        %dma_start3A_383 = arith.constant 0 : i32
        %dma_start3A_384 = tpu.memref_slice %arg4[%add3A_347, %dma_start3A_383] : memref<81920x128xf32, #tpu.memory_space<hbm>> -> memref<128x32xf32, #tpu.memory_space<hbm>>
        %dma_start3A_385 = arith.constant 512 : i32
        %dma_start3A_386 = arith.constant 0 : i32
        %dma_start3A_387 = tpu.memref_slice %arg7[%dma_start3A_385, %dma_start3A_386] : memref<2560x32xf32, #tpu.memory_space<vmem>> -> memref<128x32xf32, #tpu.memory_space<vmem>>
        tpu.enqueue_dma source(%dma_start3A_387 : memref<128x32xf32, #tpu.memory_space<vmem>>) target(%dma_start3A_384 : memref<128x32xf32, #tpu.memory_space<hbm>>) target_semaphore(%run_scoped3A : memref<!tpu.dma_semaphore, #tpu.memory_space<semaphore_mem>>)
        %dma_wait3A_388 = arith.constant 512 : i32
        %dma_wait3A_389 = arith.constant 0 : i32
        %dma_wait3A_390 = tpu.memref_slice %arg7[%dma_wait3A_388, %dma_wait3A_389] : memref<2560x32xf32, #tpu.memory_space<vmem>> -> memref<128x32xf32, #tpu.memory_space<vmem>>
        %dma_wait3A_391 = arith.constant 0 : i32
        %dma_wait3A_392 = tpu.memref_slice %arg4[%add3A_347, %dma_wait3A_391] : memref<81920x128xf32, #tpu.memory_space<hbm>> -> memref<128x32xf32, #tpu.memory_space<hbm>>
        %dma_wait3A_393 = arith.constant 0 : i32
        %dma_wait3A_394 = tpu.memref_slice %arg4[%add3A_347, %dma_wait3A_393] : memref<81920x128xf32, #tpu.memory_space<hbm>> -> memref<128x32xf32, #tpu.memory_space<hbm>>
        %dma_wait3A_395 = arith.constant 512 : i32
        %dma_wait3A_396 = arith.constant 0 : i32
        %dma_wait3A_397 = tpu.memref_slice %arg7[%dma_wait3A_395, %dma_wait3A_396] : memref<2560x32xf32, #tpu.memory_space<vmem>> -> memref<128x32xf32, #tpu.memory_space<vmem>>
        tpu.wait_dma2 semaphore(%run_scoped3A : memref<!tpu.dma_semaphore, #tpu.memory_space<semaphore_mem>>) src(%dma_wait3A_397 : memref<128x32xf32, #tpu.memory_space<vmem>>) dst(%dma_wait3A_394 : memref<128x32xf32, #tpu.memory_space<hbm>>)
        tpu.yield
      }) : () -> ()
      %add3A_348 = arith.constant 16384 : i32
      %add3A_349 = arith.addi %add3A_348, %add3A_14 : i32
      "tpu.region"() ({
        %run_scoped3A = tpu.sem_alloc : memref<!tpu.dma_semaphore, #tpu.memory_space<semaphore_mem>>
        %dma_start3A_378 = arith.constant 640 : i32
        %dma_start3A_379 = arith.constant 0 : i32
        %dma_start3A_380 = tpu.memref_slice %arg7[%dma_start3A_378, %dma_start3A_379] : memref<2560x32xf32, #tpu.memory_space<vmem>> -> memref<128x32xf32, #tpu.memory_space<vmem>>
        %dma_start3A_381 = arith.constant 32 : i32
        %dma_start3A_382 = tpu.memref_slice %arg4[%add3A_349, %dma_start3A_381] : memref<81920x128xf32, #tpu.memory_space<hbm>> -> memref<128x32xf32, #tpu.memory_space<hbm>>
        %dma_start3A_383 = arith.constant 32 : i32
        %dma_start3A_384 = tpu.memref_slice %arg4[%add3A_349, %dma_start3A_383] : memref<81920x128xf32, #tpu.memory_space<hbm>> -> memref<128x32xf32, #tpu.memory_space<hbm>>
        %dma_start3A_385 = arith.constant 640 : i32
        %dma_start3A_386 = arith.constant 0 : i32
        %dma_start3A_387 = tpu.memref_slice %arg7[%dma_start3A_385, %dma_start3A_386] : memref<2560x32xf32, #tpu.memory_space<vmem>> -> memref<128x32xf32, #tpu.memory_space<vmem>>
        tpu.enqueue_dma source(%dma_start3A_387 : memref<128x32xf32, #tpu.memory_space<vmem>>) target(%dma_start3A_384 : memref<128x32xf32, #tpu.memory_space<hbm>>) target_semaphore(%run_scoped3A : memref<!tpu.dma_semaphore, #tpu.memory_space<semaphore_mem>>)
        %dma_wait3A_388 = arith.constant 640 : i32
        %dma_wait3A_389 = arith.constant 0 : i32
        %dma_wait3A_390 = tpu.memref_slice %arg7[%dma_wait3A_388, %dma_wait3A_389] : memref<2560x32xf32, #tpu.memory_space<vmem>> -> memref<128x32xf32, #tpu.memory_space<vmem>>
        %dma_wait3A_391 = arith.constant 32 : i32
        %dma_wait3A_392 = tpu.memref_slice %arg4[%add3A_349, %dma_wait3A_391] : memref<81920x128xf32, #tpu.memory_space<hbm>> -> memref<128x32xf32, #tpu.memory_space<hbm>>
        %dma_wait3A_393 = arith.constant 32 : i32
        %dma_wait3A_394 = tpu.memref_slice %arg4[%add3A_349, %dma_wait3A_393] : memref<81920x128xf32, #tpu.memory_space<hbm>> -> memref<128x32xf32, #tpu.memory_space<hbm>>
        %dma_wait3A_395 = arith.constant 640 : i32
        %dma_wait3A_396 = arith.constant 0 : i32
        %dma_wait3A_397 = tpu.memref_slice %arg7[%dma_wait3A_395, %dma_wait3A_396] : memref<2560x32xf32, #tpu.memory_space<vmem>> -> memref<128x32xf32, #tpu.memory_space<vmem>>
        tpu.wait_dma2 semaphore(%run_scoped3A : memref<!tpu.dma_semaphore, #tpu.memory_space<semaphore_mem>>) src(%dma_wait3A_397 : memref<128x32xf32, #tpu.memory_space<vmem>>) dst(%dma_wait3A_394 : memref<128x32xf32, #tpu.memory_space<hbm>>)
        tpu.yield
      }) : () -> ()
      %add3A_350 = arith.constant 16384 : i32
      %add3A_351 = arith.addi %add3A_350, %add3A_14 : i32
      "tpu.region"() ({
        %run_scoped3A = tpu.sem_alloc : memref<!tpu.dma_semaphore, #tpu.memory_space<semaphore_mem>>
        %dma_start3A_378 = arith.constant 768 : i32
        %dma_start3A_379 = arith.constant 0 : i32
        %dma_start3A_380 = tpu.memref_slice %arg7[%dma_start3A_378, %dma_start3A_379] : memref<2560x32xf32, #tpu.memory_space<vmem>> -> memref<128x32xf32, #tpu.memory_space<vmem>>
        %dma_start3A_381 = arith.constant 64 : i32
        %dma_start3A_382 = tpu.memref_slice %arg4[%add3A_351, %dma_start3A_381] : memref<81920x128xf32, #tpu.memory_space<hbm>> -> memref<128x32xf32, #tpu.memory_space<hbm>>
        %dma_start3A_383 = arith.constant 64 : i32
        %dma_start3A_384 = tpu.memref_slice %arg4[%add3A_351, %dma_start3A_383] : memref<81920x128xf32, #tpu.memory_space<hbm>> -> memref<128x32xf32, #tpu.memory_space<hbm>>
        %dma_start3A_385 = arith.constant 768 : i32
        %dma_start3A_386 = arith.constant 0 : i32
        %dma_start3A_387 = tpu.memref_slice %arg7[%dma_start3A_385, %dma_start3A_386] : memref<2560x32xf32, #tpu.memory_space<vmem>> -> memref<128x32xf32, #tpu.memory_space<vmem>>
        tpu.enqueue_dma source(%dma_start3A_387 : memref<128x32xf32, #tpu.memory_space<vmem>>) target(%dma_start3A_384 : memref<128x32xf32, #tpu.memory_space<hbm>>) target_semaphore(%run_scoped3A : memref<!tpu.dma_semaphore, #tpu.memory_space<semaphore_mem>>)
        %dma_wait3A_388 = arith.constant 768 : i32
        %dma_wait3A_389 = arith.constant 0 : i32
        %dma_wait3A_390 = tpu.memref_slice %arg7[%dma_wait3A_388, %dma_wait3A_389] : memref<2560x32xf32, #tpu.memory_space<vmem>> -> memref<128x32xf32, #tpu.memory_space<vmem>>
        %dma_wait3A_391 = arith.constant 64 : i32
        %dma_wait3A_392 = tpu.memref_slice %arg4[%add3A_351, %dma_wait3A_391] : memref<81920x128xf32, #tpu.memory_space<hbm>> -> memref<128x32xf32, #tpu.memory_space<hbm>>
        %dma_wait3A_393 = arith.constant 64 : i32
        %dma_wait3A_394 = tpu.memref_slice %arg4[%add3A_351, %dma_wait3A_393] : memref<81920x128xf32, #tpu.memory_space<hbm>> -> memref<128x32xf32, #tpu.memory_space<hbm>>
        %dma_wait3A_395 = arith.constant 768 : i32
        %dma_wait3A_396 = arith.constant 0 : i32
        %dma_wait3A_397 = tpu.memref_slice %arg7[%dma_wait3A_395, %dma_wait3A_396] : memref<2560x32xf32, #tpu.memory_space<vmem>> -> memref<128x32xf32, #tpu.memory_space<vmem>>
        tpu.wait_dma2 semaphore(%run_scoped3A : memref<!tpu.dma_semaphore, #tpu.memory_space<semaphore_mem>>) src(%dma_wait3A_397 : memref<128x32xf32, #tpu.memory_space<vmem>>) dst(%dma_wait3A_394 : memref<128x32xf32, #tpu.memory_space<hbm>>)
        tpu.yield
      }) : () -> ()
      %add3A_352 = arith.constant 16384 : i32
      %add3A_353 = arith.addi %add3A_352, %add3A_14 : i32
      "tpu.region"() ({
        %run_scoped3A = tpu.sem_alloc : memref<!tpu.dma_semaphore, #tpu.memory_space<semaphore_mem>>
        %dma_start3A_378 = arith.constant 896 : i32
        %dma_start3A_379 = arith.constant 0 : i32
        %dma_start3A_380 = tpu.memref_slice %arg7[%dma_start3A_378, %dma_start3A_379] : memref<2560x32xf32, #tpu.memory_space<vmem>> -> memref<128x32xf32, #tpu.memory_space<vmem>>
        %dma_start3A_381 = arith.constant 96 : i32
        %dma_start3A_382 = tpu.memref_slice %arg4[%add3A_353, %dma_start3A_381] : memref<81920x128xf32, #tpu.memory_space<hbm>> -> memref<128x32xf32, #tpu.memory_space<hbm>>
        %dma_start3A_383 = arith.constant 96 : i32
        %dma_start3A_384 = tpu.memref_slice %arg4[%add3A_353, %dma_start3A_383] : memref<81920x128xf32, #tpu.memory_space<hbm>> -> memref<128x32xf32, #tpu.memory_space<hbm>>
        %dma_start3A_385 = arith.constant 896 : i32
        %dma_start3A_386 = arith.constant 0 : i32
        %dma_start3A_387 = tpu.memref_slice %arg7[%dma_start3A_385, %dma_start3A_386] : memref<2560x32xf32, #tpu.memory_space<vmem>> -> memref<128x32xf32, #tpu.memory_space<vmem>>
        tpu.enqueue_dma source(%dma_start3A_387 : memref<128x32xf32, #tpu.memory_space<vmem>>) target(%dma_start3A_384 : memref<128x32xf32, #tpu.memory_space<hbm>>) target_semaphore(%run_scoped3A : memref<!tpu.dma_semaphore, #tpu.memory_space<semaphore_mem>>)
        %dma_wait3A_388 = arith.constant 896 : i32
        %dma_wait3A_389 = arith.constant 0 : i32
        %dma_wait3A_390 = tpu.memref_slice %arg7[%dma_wait3A_388, %dma_wait3A_389] : memref<2560x32xf32, #tpu.memory_space<vmem>> -> memref<128x32xf32, #tpu.memory_space<vmem>>
        %dma_wait3A_391 = arith.constant 96 : i32
        %dma_wait3A_392 = tpu.memref_slice %arg4[%add3A_353, %dma_wait3A_391] : memref<81920x128xf32, #tpu.memory_space<hbm>> -> memref<128x32xf32, #tpu.memory_space<hbm>>
        %dma_wait3A_393 = arith.constant 96 : i32
        %dma_wait3A_394 = tpu.memref_slice %arg4[%add3A_353, %dma_wait3A_393] : memref<81920x128xf32, #tpu.memory_space<hbm>> -> memref<128x32xf32, #tpu.memory_space<hbm>>
        %dma_wait3A_395 = arith.constant 896 : i32
        %dma_wait3A_396 = arith.constant 0 : i32
        %dma_wait3A_397 = tpu.memref_slice %arg7[%dma_wait3A_395, %dma_wait3A_396] : memref<2560x32xf32, #tpu.memory_space<vmem>> -> memref<128x32xf32, #tpu.memory_space<vmem>>
        tpu.wait_dma2 semaphore(%run_scoped3A : memref<!tpu.dma_semaphore, #tpu.memory_space<semaphore_mem>>) src(%dma_wait3A_397 : memref<128x32xf32, #tpu.memory_space<vmem>>) dst(%dma_wait3A_394 : memref<128x32xf32, #tpu.memory_space<hbm>>)
        tpu.yield
      }) : () -> ()
      %add3A_354 = arith.constant 32768 : i32
      %add3A_355 = arith.addi %add3A_354, %add3A_14 : i32
      "tpu.region"() ({
        %run_scoped3A = tpu.sem_alloc : memref<!tpu.dma_semaphore, #tpu.memory_space<semaphore_mem>>
        %dma_start3A_378 = arith.constant 1024 : i32
        %dma_start3A_379 = arith.constant 0 : i32
        %dma_start3A_380 = tpu.memref_slice %arg7[%dma_start3A_378, %dma_start3A_379] : memref<2560x32xf32, #tpu.memory_space<vmem>> -> memref<128x32xf32, #tpu.memory_space<vmem>>
        %dma_start3A_381 = arith.constant 0 : i32
        %dma_start3A_382 = tpu.memref_slice %arg4[%add3A_355, %dma_start3A_381] : memref<81920x128xf32, #tpu.memory_space<hbm>> -> memref<128x32xf32, #tpu.memory_space<hbm>>
        %dma_start3A_383 = arith.constant 0 : i32
        %dma_start3A_384 = tpu.memref_slice %arg4[%add3A_355, %dma_start3A_383] : memref<81920x128xf32, #tpu.memory_space<hbm>> -> memref<128x32xf32, #tpu.memory_space<hbm>>
        %dma_start3A_385 = arith.constant 1024 : i32
        %dma_start3A_386 = arith.constant 0 : i32
        %dma_start3A_387 = tpu.memref_slice %arg7[%dma_start3A_385, %dma_start3A_386] : memref<2560x32xf32, #tpu.memory_space<vmem>> -> memref<128x32xf32, #tpu.memory_space<vmem>>
        tpu.enqueue_dma source(%dma_start3A_387 : memref<128x32xf32, #tpu.memory_space<vmem>>) target(%dma_start3A_384 : memref<128x32xf32, #tpu.memory_space<hbm>>) target_semaphore(%run_scoped3A : memref<!tpu.dma_semaphore, #tpu.memory_space<semaphore_mem>>)
        %dma_wait3A_388 = arith.constant 1024 : i32
        %dma_wait3A_389 = arith.constant 0 : i32
        %dma_wait3A_390 = tpu.memref_slice %arg7[%dma_wait3A_388, %dma_wait3A_389] : memref<2560x32xf32, #tpu.memory_space<vmem>> -> memref<128x32xf32, #tpu.memory_space<vmem>>
        %dma_wait3A_391 = arith.constant 0 : i32
        %dma_wait3A_392 = tpu.memref_slice %arg4[%add3A_355, %dma_wait3A_391] : memref<81920x128xf32, #tpu.memory_space<hbm>> -> memref<128x32xf32, #tpu.memory_space<hbm>>
        %dma_wait3A_393 = arith.constant 0 : i32
        %dma_wait3A_394 = tpu.memref_slice %arg4[%add3A_355, %dma_wait3A_393] : memref<81920x128xf32, #tpu.memory_space<hbm>> -> memref<128x32xf32, #tpu.memory_space<hbm>>
        %dma_wait3A_395 = arith.constant 1024 : i32
        %dma_wait3A_396 = arith.constant 0 : i32
        %dma_wait3A_397 = tpu.memref_slice %arg7[%dma_wait3A_395, %dma_wait3A_396] : memref<2560x32xf32, #tpu.memory_space<vmem>> -> memref<128x32xf32, #tpu.memory_space<vmem>>
        tpu.wait_dma2 semaphore(%run_scoped3A : memref<!tpu.dma_semaphore, #tpu.memory_space<semaphore_mem>>) src(%dma_wait3A_397 : memref<128x32xf32, #tpu.memory_space<vmem>>) dst(%dma_wait3A_394 : memref<128x32xf32, #tpu.memory_space<hbm>>)
        tpu.yield
      }) : () -> ()
      %add3A_356 = arith.constant 32768 : i32
      %add3A_357 = arith.addi %add3A_356, %add3A_14 : i32
      "tpu.region"() ({
        %run_scoped3A = tpu.sem_alloc : memref<!tpu.dma_semaphore, #tpu.memory_space<semaphore_mem>>
        %dma_start3A_378 = arith.constant 1152 : i32
        %dma_start3A_379 = arith.constant 0 : i32
        %dma_start3A_380 = tpu.memref_slice %arg7[%dma_start3A_378, %dma_start3A_379] : memref<2560x32xf32, #tpu.memory_space<vmem>> -> memref<128x32xf32, #tpu.memory_space<vmem>>
        %dma_start3A_381 = arith.constant 32 : i32
        %dma_start3A_382 = tpu.memref_slice %arg4[%add3A_357, %dma_start3A_381] : memref<81920x128xf32, #tpu.memory_space<hbm>> -> memref<128x32xf32, #tpu.memory_space<hbm>>
        %dma_start3A_383 = arith.constant 32 : i32
        %dma_start3A_384 = tpu.memref_slice %arg4[%add3A_357, %dma_start3A_383] : memref<81920x128xf32, #tpu.memory_space<hbm>> -> memref<128x32xf32, #tpu.memory_space<hbm>>
        %dma_start3A_385 = arith.constant 1152 : i32
        %dma_start3A_386 = arith.constant 0 : i32
        %dma_start3A_387 = tpu.memref_slice %arg7[%dma_start3A_385, %dma_start3A_386] : memref<2560x32xf32, #tpu.memory_space<vmem>> -> memref<128x32xf32, #tpu.memory_space<vmem>>
        tpu.enqueue_dma source(%dma_start3A_387 : memref<128x32xf32, #tpu.memory_space<vmem>>) target(%dma_start3A_384 : memref<128x32xf32, #tpu.memory_space<hbm>>) target_semaphore(%run_scoped3A : memref<!tpu.dma_semaphore, #tpu.memory_space<semaphore_mem>>)
        %dma_wait3A_388 = arith.constant 1152 : i32
        %dma_wait3A_389 = arith.constant 0 : i32
        %dma_wait3A_390 = tpu.memref_slice %arg7[%dma_wait3A_388, %dma_wait3A_389] : memref<2560x32xf32, #tpu.memory_space<vmem>> -> memref<128x32xf32, #tpu.memory_space<vmem>>
        %dma_wait3A_391 = arith.constant 32 : i32
        %dma_wait3A_392 = tpu.memref_slice %arg4[%add3A_357, %dma_wait3A_391] : memref<81920x128xf32, #tpu.memory_space<hbm>> -> memref<128x32xf32, #tpu.memory_space<hbm>>
        %dma_wait3A_393 = arith.constant 32 : i32
        %dma_wait3A_394 = tpu.memref_slice %arg4[%add3A_357, %dma_wait3A_393] : memref<81920x128xf32, #tpu.memory_space<hbm>> -> memref<128x32xf32, #tpu.memory_space<hbm>>
        %dma_wait3A_395 = arith.constant 1152 : i32
        %dma_wait3A_396 = arith.constant 0 : i32
        %dma_wait3A_397 = tpu.memref_slice %arg7[%dma_wait3A_395, %dma_wait3A_396] : memref<2560x32xf32, #tpu.memory_space<vmem>> -> memref<128x32xf32, #tpu.memory_space<vmem>>
        tpu.wait_dma2 semaphore(%run_scoped3A : memref<!tpu.dma_semaphore, #tpu.memory_space<semaphore_mem>>) src(%dma_wait3A_397 : memref<128x32xf32, #tpu.memory_space<vmem>>) dst(%dma_wait3A_394 : memref<128x32xf32, #tpu.memory_space<hbm>>)
        tpu.yield
      }) : () -> ()
      %add3A_358 = arith.constant 32768 : i32
      %add3A_359 = arith.addi %add3A_358, %add3A_14 : i32
      "tpu.region"() ({
        %run_scoped3A = tpu.sem_alloc : memref<!tpu.dma_semaphore, #tpu.memory_space<semaphore_mem>>
        %dma_start3A_378 = arith.constant 1280 : i32
        %dma_start3A_379 = arith.constant 0 : i32
        %dma_start3A_380 = tpu.memref_slice %arg7[%dma_start3A_378, %dma_start3A_379] : memref<2560x32xf32, #tpu.memory_space<vmem>> -> memref<128x32xf32, #tpu.memory_space<vmem>>
        %dma_start3A_381 = arith.constant 64 : i32
        %dma_start3A_382 = tpu.memref_slice %arg4[%add3A_359, %dma_start3A_381] : memref<81920x128xf32, #tpu.memory_space<hbm>> -> memref<128x32xf32, #tpu.memory_space<hbm>>
        %dma_start3A_383 = arith.constant 64 : i32
        %dma_start3A_384 = tpu.memref_slice %arg4[%add3A_359, %dma_start3A_383] : memref<81920x128xf32, #tpu.memory_space<hbm>> -> memref<128x32xf32, #tpu.memory_space<hbm>>
        %dma_start3A_385 = arith.constant 1280 : i32
        %dma_start3A_386 = arith.constant 0 : i32
        %dma_start3A_387 = tpu.memref_slice %arg7[%dma_start3A_385, %dma_start3A_386] : memref<2560x32xf32, #tpu.memory_space<vmem>> -> memref<128x32xf32, #tpu.memory_space<vmem>>
        tpu.enqueue_dma source(%dma_start3A_387 : memref<128x32xf32, #tpu.memory_space<vmem>>) target(%dma_start3A_384 : memref<128x32xf32, #tpu.memory_space<hbm>>) target_semaphore(%run_scoped3A : memref<!tpu.dma_semaphore, #tpu.memory_space<semaphore_mem>>)
        %dma_wait3A_388 = arith.constant 1280 : i32
        %dma_wait3A_389 = arith.constant 0 : i32
        %dma_wait3A_390 = tpu.memref_slice %arg7[%dma_wait3A_388, %dma_wait3A_389] : memref<2560x32xf32, #tpu.memory_space<vmem>> -> memref<128x32xf32, #tpu.memory_space<vmem>>
        %dma_wait3A_391 = arith.constant 64 : i32
        %dma_wait3A_392 = tpu.memref_slice %arg4[%add3A_359, %dma_wait3A_391] : memref<81920x128xf32, #tpu.memory_space<hbm>> -> memref<128x32xf32, #tpu.memory_space<hbm>>
        %dma_wait3A_393 = arith.constant 64 : i32
        %dma_wait3A_394 = tpu.memref_slice %arg4[%add3A_359, %dma_wait3A_393] : memref<81920x128xf32, #tpu.memory_space<hbm>> -> memref<128x32xf32, #tpu.memory_space<hbm>>
        %dma_wait3A_395 = arith.constant 1280 : i32
        %dma_wait3A_396 = arith.constant 0 : i32
        %dma_wait3A_397 = tpu.memref_slice %arg7[%dma_wait3A_395, %dma_wait3A_396] : memref<2560x32xf32, #tpu.memory_space<vmem>> -> memref<128x32xf32, #tpu.memory_space<vmem>>
        tpu.wait_dma2 semaphore(%run_scoped3A : memref<!tpu.dma_semaphore, #tpu.memory_space<semaphore_mem>>) src(%dma_wait3A_397 : memref<128x32xf32, #tpu.memory_space<vmem>>) dst(%dma_wait3A_394 : memref<128x32xf32, #tpu.memory_space<hbm>>)
        tpu.yield
      }) : () -> ()
      %add3A_360 = arith.constant 32768 : i32
      %add3A_361 = arith.addi %add3A_360, %add3A_14 : i32
      "tpu.region"() ({
        %run_scoped3A = tpu.sem_alloc : memref<!tpu.dma_semaphore, #tpu.memory_space<semaphore_mem>>
        %dma_start3A_378 = arith.constant 1408 : i32
        %dma_start3A_379 = arith.constant 0 : i32
        %dma_start3A_380 = tpu.memref_slice %arg7[%dma_start3A_378, %dma_start3A_379] : memref<2560x32xf32, #tpu.memory_space<vmem>> -> memref<128x32xf32, #tpu.memory_space<vmem>>
        %dma_start3A_381 = arith.constant 96 : i32
        %dma_start3A_382 = tpu.memref_slice %arg4[%add3A_361, %dma_start3A_381] : memref<81920x128xf32, #tpu.memory_space<hbm>> -> memref<128x32xf32, #tpu.memory_space<hbm>>
        %dma_start3A_383 = arith.constant 96 : i32
        %dma_start3A_384 = tpu.memref_slice %arg4[%add3A_361, %dma_start3A_383] : memref<81920x128xf32, #tpu.memory_space<hbm>> -> memref<128x32xf32, #tpu.memory_space<hbm>>
        %dma_start3A_385 = arith.constant 1408 : i32
        %dma_start3A_386 = arith.constant 0 : i32
        %dma_start3A_387 = tpu.memref_slice %arg7[%dma_start3A_385, %dma_start3A_386] : memref<2560x32xf32, #tpu.memory_space<vmem>> -> memref<128x32xf32, #tpu.memory_space<vmem>>
        tpu.enqueue_dma source(%dma_start3A_387 : memref<128x32xf32, #tpu.memory_space<vmem>>) target(%dma_start3A_384 : memref<128x32xf32, #tpu.memory_space<hbm>>) target_semaphore(%run_scoped3A : memref<!tpu.dma_semaphore, #tpu.memory_space<semaphore_mem>>)
        %dma_wait3A_388 = arith.constant 1408 : i32
        %dma_wait3A_389 = arith.constant 0 : i32
        %dma_wait3A_390 = tpu.memref_slice %arg7[%dma_wait3A_388, %dma_wait3A_389] : memref<2560x32xf32, #tpu.memory_space<vmem>> -> memref<128x32xf32, #tpu.memory_space<vmem>>
        %dma_wait3A_391 = arith.constant 96 : i32
        %dma_wait3A_392 = tpu.memref_slice %arg4[%add3A_361, %dma_wait3A_391] : memref<81920x128xf32, #tpu.memory_space<hbm>> -> memref<128x32xf32, #tpu.memory_space<hbm>>
        %dma_wait3A_393 = arith.constant 96 : i32
        %dma_wait3A_394 = tpu.memref_slice %arg4[%add3A_361, %dma_wait3A_393] : memref<81920x128xf32, #tpu.memory_space<hbm>> -> memref<128x32xf32, #tpu.memory_space<hbm>>
        %dma_wait3A_395 = arith.constant 1408 : i32
        %dma_wait3A_396 = arith.constant 0 : i32
        %dma_wait3A_397 = tpu.memref_slice %arg7[%dma_wait3A_395, %dma_wait3A_396] : memref<2560x32xf32, #tpu.memory_space<vmem>> -> memref<128x32xf32, #tpu.memory_space<vmem>>
        tpu.wait_dma2 semaphore(%run_scoped3A : memref<!tpu.dma_semaphore, #tpu.memory_space<semaphore_mem>>) src(%dma_wait3A_397 : memref<128x32xf32, #tpu.memory_space<vmem>>) dst(%dma_wait3A_394 : memref<128x32xf32, #tpu.memory_space<hbm>>)
        tpu.yield
      }) : () -> ()
      %add3A_362 = arith.constant 49152 : i32
      %add3A_363 = arith.addi %add3A_362, %add3A_14 : i32
      "tpu.region"() ({
        %run_scoped3A = tpu.sem_alloc : memref<!tpu.dma_semaphore, #tpu.memory_space<semaphore_mem>>
        %dma_start3A_378 = arith.constant 1536 : i32
        %dma_start3A_379 = arith.constant 0 : i32
        %dma_start3A_380 = tpu.memref_slice %arg7[%dma_start3A_378, %dma_start3A_379] : memref<2560x32xf32, #tpu.memory_space<vmem>> -> memref<128x32xf32, #tpu.memory_space<vmem>>
        %dma_start3A_381 = arith.constant 0 : i32
        %dma_start3A_382 = tpu.memref_slice %arg4[%add3A_363, %dma_start3A_381] : memref<81920x128xf32, #tpu.memory_space<hbm>> -> memref<128x32xf32, #tpu.memory_space<hbm>>
        %dma_start3A_383 = arith.constant 0 : i32
        %dma_start3A_384 = tpu.memref_slice %arg4[%add3A_363, %dma_start3A_383] : memref<81920x128xf32, #tpu.memory_space<hbm>> -> memref<128x32xf32, #tpu.memory_space<hbm>>
        %dma_start3A_385 = arith.constant 1536 : i32
        %dma_start3A_386 = arith.constant 0 : i32
        %dma_start3A_387 = tpu.memref_slice %arg7[%dma_start3A_385, %dma_start3A_386] : memref<2560x32xf32, #tpu.memory_space<vmem>> -> memref<128x32xf32, #tpu.memory_space<vmem>>
        tpu.enqueue_dma source(%dma_start3A_387 : memref<128x32xf32, #tpu.memory_space<vmem>>) target(%dma_start3A_384 : memref<128x32xf32, #tpu.memory_space<hbm>>) target_semaphore(%run_scoped3A : memref<!tpu.dma_semaphore, #tpu.memory_space<semaphore_mem>>)
        %dma_wait3A_388 = arith.constant 1536 : i32
        %dma_wait3A_389 = arith.constant 0 : i32
        %dma_wait3A_390 = tpu.memref_slice %arg7[%dma_wait3A_388, %dma_wait3A_389] : memref<2560x32xf32, #tpu.memory_space<vmem>> -> memref<128x32xf32, #tpu.memory_space<vmem>>
        %dma_wait3A_391 = arith.constant 0 : i32
        %dma_wait3A_392 = tpu.memref_slice %arg4[%add3A_363, %dma_wait3A_391] : memref<81920x128xf32, #tpu.memory_space<hbm>> -> memref<128x32xf32, #tpu.memory_space<hbm>>
        %dma_wait3A_393 = arith.constant 0 : i32
        %dma_wait3A_394 = tpu.memref_slice %arg4[%add3A_363, %dma_wait3A_393] : memref<81920x128xf32, #tpu.memory_space<hbm>> -> memref<128x32xf32, #tpu.memory_space<hbm>>
        %dma_wait3A_395 = arith.constant 1536 : i32
        %dma_wait3A_396 = arith.constant 0 : i32
        %dma_wait3A_397 = tpu.memref_slice %arg7[%dma_wait3A_395, %dma_wait3A_396] : memref<2560x32xf32, #tpu.memory_space<vmem>> -> memref<128x32xf32, #tpu.memory_space<vmem>>
        tpu.wait_dma2 semaphore(%run_scoped3A : memref<!tpu.dma_semaphore, #tpu.memory_space<semaphore_mem>>) src(%dma_wait3A_397 : memref<128x32xf32, #tpu.memory_space<vmem>>) dst(%dma_wait3A_394 : memref<128x32xf32, #tpu.memory_space<hbm>>)
        tpu.yield
      }) : () -> ()
      %add3A_364 = arith.constant 49152 : i32
      %add3A_365 = arith.addi %add3A_364, %add3A_14 : i32
      "tpu.region"() ({
        %run_scoped3A = tpu.sem_alloc : memref<!tpu.dma_semaphore, #tpu.memory_space<semaphore_mem>>
        %dma_start3A_378 = arith.constant 1664 : i32
        %dma_start3A_379 = arith.constant 0 : i32
        %dma_start3A_380 = tpu.memref_slice %arg7[%dma_start3A_378, %dma_start3A_379] : memref<2560x32xf32, #tpu.memory_space<vmem>> -> memref<128x32xf32, #tpu.memory_space<vmem>>
        %dma_start3A_381 = arith.constant 32 : i32
        %dma_start3A_382 = tpu.memref_slice %arg4[%add3A_365, %dma_start3A_381] : memref<81920x128xf32, #tpu.memory_space<hbm>> -> memref<128x32xf32, #tpu.memory_space<hbm>>
        %dma_start3A_383 = arith.constant 32 : i32
        %dma_start3A_384 = tpu.memref_slice %arg4[%add3A_365, %dma_start3A_383] : memref<81920x128xf32, #tpu.memory_space<hbm>> -> memref<128x32xf32, #tpu.memory_space<hbm>>
        %dma_start3A_385 = arith.constant 1664 : i32
        %dma_start3A_386 = arith.constant 0 : i32
        %dma_start3A_387 = tpu.memref_slice %arg7[%dma_start3A_385, %dma_start3A_386] : memref<2560x32xf32, #tpu.memory_space<vmem>> -> memref<128x32xf32, #tpu.memory_space<vmem>>
        tpu.enqueue_dma source(%dma_start3A_387 : memref<128x32xf32, #tpu.memory_space<vmem>>) target(%dma_start3A_384 : memref<128x32xf32, #tpu.memory_space<hbm>>) target_semaphore(%run_scoped3A : memref<!tpu.dma_semaphore, #tpu.memory_space<semaphore_mem>>)
        %dma_wait3A_388 = arith.constant 1664 : i32
        %dma_wait3A_389 = arith.constant 0 : i32
        %dma_wait3A_390 = tpu.memref_slice %arg7[%dma_wait3A_388, %dma_wait3A_389] : memref<2560x32xf32, #tpu.memory_space<vmem>> -> memref<128x32xf32, #tpu.memory_space<vmem>>
        %dma_wait3A_391 = arith.constant 32 : i32
        %dma_wait3A_392 = tpu.memref_slice %arg4[%add3A_365, %dma_wait3A_391] : memref<81920x128xf32, #tpu.memory_space<hbm>> -> memref<128x32xf32, #tpu.memory_space<hbm>>
        %dma_wait3A_393 = arith.constant 32 : i32
        %dma_wait3A_394 = tpu.memref_slice %arg4[%add3A_365, %dma_wait3A_393] : memref<81920x128xf32, #tpu.memory_space<hbm>> -> memref<128x32xf32, #tpu.memory_space<hbm>>
        %dma_wait3A_395 = arith.constant 1664 : i32
        %dma_wait3A_396 = arith.constant 0 : i32
        %dma_wait3A_397 = tpu.memref_slice %arg7[%dma_wait3A_395, %dma_wait3A_396] : memref<2560x32xf32, #tpu.memory_space<vmem>> -> memref<128x32xf32, #tpu.memory_space<vmem>>
        tpu.wait_dma2 semaphore(%run_scoped3A : memref<!tpu.dma_semaphore, #tpu.memory_space<semaphore_mem>>) src(%dma_wait3A_397 : memref<128x32xf32, #tpu.memory_space<vmem>>) dst(%dma_wait3A_394 : memref<128x32xf32, #tpu.memory_space<hbm>>)
        tpu.yield
      }) : () -> ()
      %add3A_366 = arith.constant 49152 : i32
      %add3A_367 = arith.addi %add3A_366, %add3A_14 : i32
      "tpu.region"() ({
        %run_scoped3A = tpu.sem_alloc : memref<!tpu.dma_semaphore, #tpu.memory_space<semaphore_mem>>
        %dma_start3A_378 = arith.constant 1792 : i32
        %dma_start3A_379 = arith.constant 0 : i32
        %dma_start3A_380 = tpu.memref_slice %arg7[%dma_start3A_378, %dma_start3A_379] : memref<2560x32xf32, #tpu.memory_space<vmem>> -> memref<128x32xf32, #tpu.memory_space<vmem>>
        %dma_start3A_381 = arith.constant 64 : i32
        %dma_start3A_382 = tpu.memref_slice %arg4[%add3A_367, %dma_start3A_381] : memref<81920x128xf32, #tpu.memory_space<hbm>> -> memref<128x32xf32, #tpu.memory_space<hbm>>
        %dma_start3A_383 = arith.constant 64 : i32
        %dma_start3A_384 = tpu.memref_slice %arg4[%add3A_367, %dma_start3A_383] : memref<81920x128xf32, #tpu.memory_space<hbm>> -> memref<128x32xf32, #tpu.memory_space<hbm>>
        %dma_start3A_385 = arith.constant 1792 : i32
        %dma_start3A_386 = arith.constant 0 : i32
        %dma_start3A_387 = tpu.memref_slice %arg7[%dma_start3A_385, %dma_start3A_386] : memref<2560x32xf32, #tpu.memory_space<vmem>> -> memref<128x32xf32, #tpu.memory_space<vmem>>
        tpu.enqueue_dma source(%dma_start3A_387 : memref<128x32xf32, #tpu.memory_space<vmem>>) target(%dma_start3A_384 : memref<128x32xf32, #tpu.memory_space<hbm>>) target_semaphore(%run_scoped3A : memref<!tpu.dma_semaphore, #tpu.memory_space<semaphore_mem>>)
        %dma_wait3A_388 = arith.constant 1792 : i32
        %dma_wait3A_389 = arith.constant 0 : i32
        %dma_wait3A_390 = tpu.memref_slice %arg7[%dma_wait3A_388, %dma_wait3A_389] : memref<2560x32xf32, #tpu.memory_space<vmem>> -> memref<128x32xf32, #tpu.memory_space<vmem>>
        %dma_wait3A_391 = arith.constant 64 : i32
        %dma_wait3A_392 = tpu.memref_slice %arg4[%add3A_367, %dma_wait3A_391] : memref<81920x128xf32, #tpu.memory_space<hbm>> -> memref<128x32xf32, #tpu.memory_space<hbm>>
        %dma_wait3A_393 = arith.constant 64 : i32
        %dma_wait3A_394 = tpu.memref_slice %arg4[%add3A_367, %dma_wait3A_393] : memref<81920x128xf32, #tpu.memory_space<hbm>> -> memref<128x32xf32, #tpu.memory_space<hbm>>
        %dma_wait3A_395 = arith.constant 1792 : i32
        %dma_wait3A_396 = arith.constant 0 : i32
        %dma_wait3A_397 = tpu.memref_slice %arg7[%dma_wait3A_395, %dma_wait3A_396] : memref<2560x32xf32, #tpu.memory_space<vmem>> -> memref<128x32xf32, #tpu.memory_space<vmem>>
        tpu.wait_dma2 semaphore(%run_scoped3A : memref<!tpu.dma_semaphore, #tpu.memory_space<semaphore_mem>>) src(%dma_wait3A_397 : memref<128x32xf32, #tpu.memory_space<vmem>>) dst(%dma_wait3A_394 : memref<128x32xf32, #tpu.memory_space<hbm>>)
        tpu.yield
      }) : () -> ()
      %add3A_368 = arith.constant 49152 : i32
      %add3A_369 = arith.addi %add3A_368, %add3A_14 : i32
      "tpu.region"() ({
        %run_scoped3A = tpu.sem_alloc : memref<!tpu.dma_semaphore, #tpu.memory_space<semaphore_mem>>
        %dma_start3A_378 = arith.constant 1920 : i32
        %dma_start3A_379 = arith.constant 0 : i32
        %dma_start3A_380 = tpu.memref_slice %arg7[%dma_start3A_378, %dma_start3A_379] : memref<2560x32xf32, #tpu.memory_space<vmem>> -> memref<128x32xf32, #tpu.memory_space<vmem>>
        %dma_start3A_381 = arith.constant 96 : i32
        %dma_start3A_382 = tpu.memref_slice %arg4[%add3A_369, %dma_start3A_381] : memref<81920x128xf32, #tpu.memory_space<hbm>> -> memref<128x32xf32, #tpu.memory_space<hbm>>
        %dma_start3A_383 = arith.constant 96 : i32
        %dma_start3A_384 = tpu.memref_slice %arg4[%add3A_369, %dma_start3A_383] : memref<81920x128xf32, #tpu.memory_space<hbm>> -> memref<128x32xf32, #tpu.memory_space<hbm>>
        %dma_start3A_385 = arith.constant 1920 : i32
        %dma_start3A_386 = arith.constant 0 : i32
        %dma_start3A_387 = tpu.memref_slice %arg7[%dma_start3A_385, %dma_start3A_386] : memref<2560x32xf32, #tpu.memory_space<vmem>> -> memref<128x32xf32, #tpu.memory_space<vmem>>
        tpu.enqueue_dma source(%dma_start3A_387 : memref<128x32xf32, #tpu.memory_space<vmem>>) target(%dma_start3A_384 : memref<128x32xf32, #tpu.memory_space<hbm>>) target_semaphore(%run_scoped3A : memref<!tpu.dma_semaphore, #tpu.memory_space<semaphore_mem>>)
        %dma_wait3A_388 = arith.constant 1920 : i32
        %dma_wait3A_389 = arith.constant 0 : i32
        %dma_wait3A_390 = tpu.memref_slice %arg7[%dma_wait3A_388, %dma_wait3A_389] : memref<2560x32xf32, #tpu.memory_space<vmem>> -> memref<128x32xf32, #tpu.memory_space<vmem>>
        %dma_wait3A_391 = arith.constant 96 : i32
        %dma_wait3A_392 = tpu.memref_slice %arg4[%add3A_369, %dma_wait3A_391] : memref<81920x128xf32, #tpu.memory_space<hbm>> -> memref<128x32xf32, #tpu.memory_space<hbm>>
        %dma_wait3A_393 = arith.constant 96 : i32
        %dma_wait3A_394 = tpu.memref_slice %arg4[%add3A_369, %dma_wait3A_393] : memref<81920x128xf32, #tpu.memory_space<hbm>> -> memref<128x32xf32, #tpu.memory_space<hbm>>
        %dma_wait3A_395 = arith.constant 1920 : i32
        %dma_wait3A_396 = arith.constant 0 : i32
        %dma_wait3A_397 = tpu.memref_slice %arg7[%dma_wait3A_395, %dma_wait3A_396] : memref<2560x32xf32, #tpu.memory_space<vmem>> -> memref<128x32xf32, #tpu.memory_space<vmem>>
        tpu.wait_dma2 semaphore(%run_scoped3A : memref<!tpu.dma_semaphore, #tpu.memory_space<semaphore_mem>>) src(%dma_wait3A_397 : memref<128x32xf32, #tpu.memory_space<vmem>>) dst(%dma_wait3A_394 : memref<128x32xf32, #tpu.memory_space<hbm>>)
        tpu.yield
      }) : () -> ()
      %add3A_370 = arith.constant 65536 : i32
      %add3A_371 = arith.addi %add3A_370, %add3A_14 : i32
      "tpu.region"() ({
        %run_scoped3A = tpu.sem_alloc : memref<!tpu.dma_semaphore, #tpu.memory_space<semaphore_mem>>
        %dma_start3A_378 = arith.constant 2048 : i32
        %dma_start3A_379 = arith.constant 0 : i32
        %dma_start3A_380 = tpu.memref_slice %arg7[%dma_start3A_378, %dma_start3A_379] : memref<2560x32xf32, #tpu.memory_space<vmem>> -> memref<128x32xf32, #tpu.memory_space<vmem>>
        %dma_start3A_381 = arith.constant 0 : i32
        %dma_start3A_382 = tpu.memref_slice %arg4[%add3A_371, %dma_start3A_381] : memref<81920x128xf32, #tpu.memory_space<hbm>> -> memref<128x32xf32, #tpu.memory_space<hbm>>
        %dma_start3A_383 = arith.constant 0 : i32
        %dma_start3A_384 = tpu.memref_slice %arg4[%add3A_371, %dma_start3A_383] : memref<81920x128xf32, #tpu.memory_space<hbm>> -> memref<128x32xf32, #tpu.memory_space<hbm>>
        %dma_start3A_385 = arith.constant 2048 : i32
        %dma_start3A_386 = arith.constant 0 : i32
        %dma_start3A_387 = tpu.memref_slice %arg7[%dma_start3A_385, %dma_start3A_386] : memref<2560x32xf32, #tpu.memory_space<vmem>> -> memref<128x32xf32, #tpu.memory_space<vmem>>
        tpu.enqueue_dma source(%dma_start3A_387 : memref<128x32xf32, #tpu.memory_space<vmem>>) target(%dma_start3A_384 : memref<128x32xf32, #tpu.memory_space<hbm>>) target_semaphore(%run_scoped3A : memref<!tpu.dma_semaphore, #tpu.memory_space<semaphore_mem>>)
        %dma_wait3A_388 = arith.constant 2048 : i32
        %dma_wait3A_389 = arith.constant 0 : i32
        %dma_wait3A_390 = tpu.memref_slice %arg7[%dma_wait3A_388, %dma_wait3A_389] : memref<2560x32xf32, #tpu.memory_space<vmem>> -> memref<128x32xf32, #tpu.memory_space<vmem>>
        %dma_wait3A_391 = arith.constant 0 : i32
        %dma_wait3A_392 = tpu.memref_slice %arg4[%add3A_371, %dma_wait3A_391] : memref<81920x128xf32, #tpu.memory_space<hbm>> -> memref<128x32xf32, #tpu.memory_space<hbm>>
        %dma_wait3A_393 = arith.constant 0 : i32
        %dma_wait3A_394 = tpu.memref_slice %arg4[%add3A_371, %dma_wait3A_393] : memref<81920x128xf32, #tpu.memory_space<hbm>> -> memref<128x32xf32, #tpu.memory_space<hbm>>
        %dma_wait3A_395 = arith.constant 2048 : i32
        %dma_wait3A_396 = arith.constant 0 : i32
        %dma_wait3A_397 = tpu.memref_slice %arg7[%dma_wait3A_395, %dma_wait3A_396] : memref<2560x32xf32, #tpu.memory_space<vmem>> -> memref<128x32xf32, #tpu.memory_space<vmem>>
        tpu.wait_dma2 semaphore(%run_scoped3A : memref<!tpu.dma_semaphore, #tpu.memory_space<semaphore_mem>>) src(%dma_wait3A_397 : memref<128x32xf32, #tpu.memory_space<vmem>>) dst(%dma_wait3A_394 : memref<128x32xf32, #tpu.memory_space<hbm>>)
        tpu.yield
      }) : () -> ()
      %add3A_372 = arith.constant 65536 : i32
      %add3A_373 = arith.addi %add3A_372, %add3A_14 : i32
      "tpu.region"() ({
        %run_scoped3A = tpu.sem_alloc : memref<!tpu.dma_semaphore, #tpu.memory_space<semaphore_mem>>
        %dma_start3A_378 = arith.constant 2176 : i32
        %dma_start3A_379 = arith.constant 0 : i32
        %dma_start3A_380 = tpu.memref_slice %arg7[%dma_start3A_378, %dma_start3A_379] : memref<2560x32xf32, #tpu.memory_space<vmem>> -> memref<128x32xf32, #tpu.memory_space<vmem>>
        %dma_start3A_381 = arith.constant 32 : i32
        %dma_start3A_382 = tpu.memref_slice %arg4[%add3A_373, %dma_start3A_381] : memref<81920x128xf32, #tpu.memory_space<hbm>> -> memref<128x32xf32, #tpu.memory_space<hbm>>
        %dma_start3A_383 = arith.constant 32 : i32
        %dma_start3A_384 = tpu.memref_slice %arg4[%add3A_373, %dma_start3A_383] : memref<81920x128xf32, #tpu.memory_space<hbm>> -> memref<128x32xf32, #tpu.memory_space<hbm>>
        %dma_start3A_385 = arith.constant 2176 : i32
        %dma_start3A_386 = arith.constant 0 : i32
        %dma_start3A_387 = tpu.memref_slice %arg7[%dma_start3A_385, %dma_start3A_386] : memref<2560x32xf32, #tpu.memory_space<vmem>> -> memref<128x32xf32, #tpu.memory_space<vmem>>
        tpu.enqueue_dma source(%dma_start3A_387 : memref<128x32xf32, #tpu.memory_space<vmem>>) target(%dma_start3A_384 : memref<128x32xf32, #tpu.memory_space<hbm>>) target_semaphore(%run_scoped3A : memref<!tpu.dma_semaphore, #tpu.memory_space<semaphore_mem>>)
        %dma_wait3A_388 = arith.constant 2176 : i32
        %dma_wait3A_389 = arith.constant 0 : i32
        %dma_wait3A_390 = tpu.memref_slice %arg7[%dma_wait3A_388, %dma_wait3A_389] : memref<2560x32xf32, #tpu.memory_space<vmem>> -> memref<128x32xf32, #tpu.memory_space<vmem>>
        %dma_wait3A_391 = arith.constant 32 : i32
        %dma_wait3A_392 = tpu.memref_slice %arg4[%add3A_373, %dma_wait3A_391] : memref<81920x128xf32, #tpu.memory_space<hbm>> -> memref<128x32xf32, #tpu.memory_space<hbm>>
        %dma_wait3A_393 = arith.constant 32 : i32
        %dma_wait3A_394 = tpu.memref_slice %arg4[%add3A_373, %dma_wait3A_393] : memref<81920x128xf32, #tpu.memory_space<hbm>> -> memref<128x32xf32, #tpu.memory_space<hbm>>
        %dma_wait3A_395 = arith.constant 2176 : i32
        %dma_wait3A_396 = arith.constant 0 : i32
        %dma_wait3A_397 = tpu.memref_slice %arg7[%dma_wait3A_395, %dma_wait3A_396] : memref<2560x32xf32, #tpu.memory_space<vmem>> -> memref<128x32xf32, #tpu.memory_space<vmem>>
        tpu.wait_dma2 semaphore(%run_scoped3A : memref<!tpu.dma_semaphore, #tpu.memory_space<semaphore_mem>>) src(%dma_wait3A_397 : memref<128x32xf32, #tpu.memory_space<vmem>>) dst(%dma_wait3A_394 : memref<128x32xf32, #tpu.memory_space<hbm>>)
        tpu.yield
      }) : () -> ()
      %add3A_374 = arith.constant 65536 : i32
      %add3A_375 = arith.addi %add3A_374, %add3A_14 : i32
      "tpu.region"() ({
        %run_scoped3A = tpu.sem_alloc : memref<!tpu.dma_semaphore, #tpu.memory_space<semaphore_mem>>
        %dma_start3A_378 = arith.constant 2304 : i32
        %dma_start3A_379 = arith.constant 0 : i32
        %dma_start3A_380 = tpu.memref_slice %arg7[%dma_start3A_378, %dma_start3A_379] : memref<2560x32xf32, #tpu.memory_space<vmem>> -> memref<128x32xf32, #tpu.memory_space<vmem>>
        %dma_start3A_381 = arith.constant 64 : i32
        %dma_start3A_382 = tpu.memref_slice %arg4[%add3A_375, %dma_start3A_381] : memref<81920x128xf32, #tpu.memory_space<hbm>> -> memref<128x32xf32, #tpu.memory_space<hbm>>
        %dma_start3A_383 = arith.constant 64 : i32
        %dma_start3A_384 = tpu.memref_slice %arg4[%add3A_375, %dma_start3A_383] : memref<81920x128xf32, #tpu.memory_space<hbm>> -> memref<128x32xf32, #tpu.memory_space<hbm>>
        %dma_start3A_385 = arith.constant 2304 : i32
        %dma_start3A_386 = arith.constant 0 : i32
        %dma_start3A_387 = tpu.memref_slice %arg7[%dma_start3A_385, %dma_start3A_386] : memref<2560x32xf32, #tpu.memory_space<vmem>> -> memref<128x32xf32, #tpu.memory_space<vmem>>
        tpu.enqueue_dma source(%dma_start3A_387 : memref<128x32xf32, #tpu.memory_space<vmem>>) target(%dma_start3A_384 : memref<128x32xf32, #tpu.memory_space<hbm>>) target_semaphore(%run_scoped3A : memref<!tpu.dma_semaphore, #tpu.memory_space<semaphore_mem>>)
        %dma_wait3A_388 = arith.constant 2304 : i32
        %dma_wait3A_389 = arith.constant 0 : i32
        %dma_wait3A_390 = tpu.memref_slice %arg7[%dma_wait3A_388, %dma_wait3A_389] : memref<2560x32xf32, #tpu.memory_space<vmem>> -> memref<128x32xf32, #tpu.memory_space<vmem>>
        %dma_wait3A_391 = arith.constant 64 : i32
        %dma_wait3A_392 = tpu.memref_slice %arg4[%add3A_375, %dma_wait3A_391] : memref<81920x128xf32, #tpu.memory_space<hbm>> -> memref<128x32xf32, #tpu.memory_space<hbm>>
        %dma_wait3A_393 = arith.constant 64 : i32
        %dma_wait3A_394 = tpu.memref_slice %arg4[%add3A_375, %dma_wait3A_393] : memref<81920x128xf32, #tpu.memory_space<hbm>> -> memref<128x32xf32, #tpu.memory_space<hbm>>
        %dma_wait3A_395 = arith.constant 2304 : i32
        %dma_wait3A_396 = arith.constant 0 : i32
        %dma_wait3A_397 = tpu.memref_slice %arg7[%dma_wait3A_395, %dma_wait3A_396] : memref<2560x32xf32, #tpu.memory_space<vmem>> -> memref<128x32xf32, #tpu.memory_space<vmem>>
        tpu.wait_dma2 semaphore(%run_scoped3A : memref<!tpu.dma_semaphore, #tpu.memory_space<semaphore_mem>>) src(%dma_wait3A_397 : memref<128x32xf32, #tpu.memory_space<vmem>>) dst(%dma_wait3A_394 : memref<128x32xf32, #tpu.memory_space<hbm>>)
        tpu.yield
      }) : () -> ()
      %add3A_376 = arith.constant 65536 : i32
      %add3A_377 = arith.addi %add3A_376, %add3A_14 : i32
      "tpu.region"() ({
        %run_scoped3A = tpu.sem_alloc : memref<!tpu.dma_semaphore, #tpu.memory_space<semaphore_mem>>
        %dma_start3A_378 = arith.constant 2432 : i32
        %dma_start3A_379 = arith.constant 0 : i32
        %dma_start3A_380 = tpu.memref_slice %arg7[%dma_start3A_378, %dma_start3A_379] : memref<2560x32xf32, #tpu.memory_space<vmem>> -> memref<128x32xf32, #tpu.memory_space<vmem>>
        %dma_start3A_381 = arith.constant 96 : i32
        %dma_start3A_382 = tpu.memref_slice %arg4[%add3A_377, %dma_start3A_381] : memref<81920x128xf32, #tpu.memory_space<hbm>> -> memref<128x32xf32, #tpu.memory_space<hbm>>
        %dma_start3A_383 = arith.constant 96 : i32
        %dma_start3A_384 = tpu.memref_slice %arg4[%add3A_377, %dma_start3A_383] : memref<81920x128xf32, #tpu.memory_space<hbm>> -> memref<128x32xf32, #tpu.memory_space<hbm>>
        %dma_start3A_385 = arith.constant 2432 : i32
        %dma_start3A_386 = arith.constant 0 : i32
        %dma_start3A_387 = tpu.memref_slice %arg7[%dma_start3A_385, %dma_start3A_386] : memref<2560x32xf32, #tpu.memory_space<vmem>> -> memref<128x32xf32, #tpu.memory_space<vmem>>
        tpu.enqueue_dma source(%dma_start3A_387 : memref<128x32xf32, #tpu.memory_space<vmem>>) target(%dma_start3A_384 : memref<128x32xf32, #tpu.memory_space<hbm>>) target_semaphore(%run_scoped3A : memref<!tpu.dma_semaphore, #tpu.memory_space<semaphore_mem>>)
        %dma_wait3A_388 = arith.constant 2432 : i32
        %dma_wait3A_389 = arith.constant 0 : i32
        %dma_wait3A_390 = tpu.memref_slice %arg7[%dma_wait3A_388, %dma_wait3A_389] : memref<2560x32xf32, #tpu.memory_space<vmem>> -> memref<128x32xf32, #tpu.memory_space<vmem>>
        %dma_wait3A_391 = arith.constant 96 : i32
        %dma_wait3A_392 = tpu.memref_slice %arg4[%add3A_377, %dma_wait3A_391] : memref<81920x128xf32, #tpu.memory_space<hbm>> -> memref<128x32xf32, #tpu.memory_space<hbm>>
        %dma_wait3A_393 = arith.constant 96 : i32
        %dma_wait3A_394 = tpu.memref_slice %arg4[%add3A_377, %dma_wait3A_393] : memref<81920x128xf32, #tpu.memory_space<hbm>> -> memref<128x32xf32, #tpu.memory_space<hbm>>
        %dma_wait3A_395 = arith.constant 2432 : i32
        %dma_wait3A_396 = arith.constant 0 : i32
        %dma_wait3A_397 = tpu.memref_slice %arg7[%dma_wait3A_395, %dma_wait3A_396] : memref<2560x32xf32, #tpu.memory_space<vmem>> -> memref<128x32xf32, #tpu.memory_space<vmem>>
        tpu.wait_dma2 semaphore(%run_scoped3A : memref<!tpu.dma_semaphore, #tpu.memory_space<semaphore_mem>>) src(%dma_wait3A_397 : memref<128x32xf32, #tpu.memory_space<vmem>>) dst(%dma_wait3A_394 : memref<128x32xf32, #tpu.memory_space<hbm>>)
        tpu.yield
      }) : () -> ()
    }
    %scan3A_6 = arith.constant 4 : i32
    return
  }
}

module attributes {stable_mosaic.version = 14 : i64} {
  func.func @_compact_body(%arg0: i32, %arg1: memref<32x4096xf32, #tpu.memory_space<vmem>>, %arg2: memref<32x4096xf32, #tpu.memory_space<vmem>>, %arg3: memref<32x4096xf32, #tpu.memory_space<vmem>>, %arg4: memref<32x4096xf32, #tpu.memory_space<vmem>>, %arg5: memref<4096x128xf32, #tpu.memory_space<vmem>>) attributes {dimension_semantics = [#tpu.dimension_semantics<arbitrary>], iteration_bounds = array<i64: 62>, scalar_prefetch = 0 : i64, scratch_operands = 0 : i64, tpu.core_type = #tpu.core_type<tc>, window_params = [{transform_indices = @transform_0, window_bounds = array<i64: 32, 4096>}, {transform_indices = @transform_1, window_bounds = array<i64: 32, 4096>}, {transform_indices = @transform_2, window_bounds = array<i64: 32, 4096>}, {transform_indices = @transform_3, window_bounds = array<i64: 32, 4096>}, {transform_indices = @transform_4, window_bounds = array<i64: 4096, 128>}]} {
    %iota3A = tpu.iota {dimensions = array<i32: 0>} : vector<32x32xi32>
    %transpose3A = tpu.transpose %iota3A, [1, 0] : vector<32x32xi32> -> vector<32x32xi32>
    %eq3A = arith.cmpi eq, %iota3A, %transpose3A : vector<32x32xi32>
    %convert_element_type3A = arith.extui %eq3A : vector<32x32xi1> to vector<32x32xi32>
    %convert_element_type3A_0 = arith.sitofp %convert_element_type3A : vector<32x32xi32> to vector<32x32xf32>
    %get3A = arith.constant 0 : index
    %get3A_1 = arith.constant 0 : index
    %get3A_2 = vector.load %arg1[%get3A, %get3A_1] : memref<32x4096xf32, #tpu.memory_space<vmem>>, vector<32x4096xf32>
    %dot_general3A = arith.constant dense<0.000000e+00> : vector<4096x32xf32>
    %dot_general3A_3 = tpu.matmul %get3A_2, %convert_element_type3A_0, %dot_general3A {dimension_numbers = #tpu.dot_dimension_numbers<[0], [0], [1], [1], [0, 1, 1, 1], [], []>, transpose_lhs_hint = false} : vector<32x4096xf32>, vector<32x32xf32>, vector<4096x32xf32> -> vector<4096x32xf32>
    %swap3A = arith.constant 0 : index
    %swap3A_4 = arith.constant 0 : index
    %swap3A_5 = vector.load %arg5[%swap3A, %swap3A_4] : memref<4096x128xf32, #tpu.memory_space<vmem>>, vector<4096x32xf32>
    tpu.vector_store %arg5[%swap3A, %swap3A_4], %dot_general3A_3 {strides = array<i32>} : memref<4096x128xf32, #tpu.memory_space<vmem>>, vector<4096x32xf32>,
    %get3A_6 = arith.constant 0 : index
    %get3A_7 = arith.constant 0 : index
    %get3A_8 = vector.load %arg2[%get3A_6, %get3A_7] : memref<32x4096xf32, #tpu.memory_space<vmem>>, vector<32x4096xf32>
    %dot_general3A_9 = arith.constant dense<0.000000e+00> : vector<4096x32xf32>
    %dot_general3A_10 = tpu.matmul %get3A_8, %convert_element_type3A_0, %dot_general3A_9 {dimension_numbers = #tpu.dot_dimension_numbers<[0], [0], [1], [1], [0, 1, 1, 1], [], []>, transpose_lhs_hint = false} : vector<32x4096xf32>, vector<32x32xf32>, vector<4096x32xf32> -> vector<4096x32xf32>
    %swap3A_11 = arith.constant 0 : index
    %swap3A_12 = arith.constant 32 : index
    %swap3A_13 = vector.load %arg5[%swap3A_11, %swap3A_12] : memref<4096x128xf32, #tpu.memory_space<vmem>>, vector<4096x32xf32>
    tpu.vector_store %arg5[%swap3A_11, %swap3A_12], %dot_general3A_10 {strides = array<i32>} : memref<4096x128xf32, #tpu.memory_space<vmem>>, vector<4096x32xf32>,
    %get3A_14 = arith.constant 0 : index
    %get3A_15 = arith.constant 0 : index
    %get3A_16 = vector.load %arg3[%get3A_14, %get3A_15] : memref<32x4096xf32, #tpu.memory_space<vmem>>, vector<32x4096xf32>
    %dot_general3A_17 = arith.constant dense<0.000000e+00> : vector<4096x32xf32>
    %dot_general3A_18 = tpu.matmul %get3A_16, %convert_element_type3A_0, %dot_general3A_17 {dimension_numbers = #tpu.dot_dimension_numbers<[0], [0], [1], [1], [0, 1, 1, 1], [], []>, transpose_lhs_hint = false} : vector<32x4096xf32>, vector<32x32xf32>, vector<4096x32xf32> -> vector<4096x32xf32>
    %swap3A_19 = arith.constant 0 : index
    %swap3A_20 = arith.constant 64 : index
    %swap3A_21 = vector.load %arg5[%swap3A_19, %swap3A_20] : memref<4096x128xf32, #tpu.memory_space<vmem>>, vector<4096x32xf32>
    tpu.vector_store %arg5[%swap3A_19, %swap3A_20], %dot_general3A_18 {strides = array<i32>} : memref<4096x128xf32, #tpu.memory_space<vmem>>, vector<4096x32xf32>,
    %get3A_22 = arith.constant 0 : index
    %get3A_23 = arith.constant 0 : index
    %get3A_24 = vector.load %arg4[%get3A_22, %get3A_23] : memref<32x4096xf32, #tpu.memory_space<vmem>>, vector<32x4096xf32>
    %dot_general3A_25 = arith.constant dense<0.000000e+00> : vector<4096x32xf32>
    %dot_general3A_26 = tpu.matmul %get3A_24, %convert_element_type3A_0, %dot_general3A_25 {dimension_numbers = #tpu.dot_dimension_numbers<[0], [0], [1], [1], [0, 1, 1, 1], [], []>, transpose_lhs_hint = false} : vector<32x4096xf32>, vector<32x32xf32>, vector<4096x32xf32> -> vector<4096x32xf32>
    %swap3A_27 = arith.constant 0 : index
    %swap3A_28 = arith.constant 96 : index
    %swap3A_29 = vector.load %arg5[%swap3A_27, %swap3A_28] : memref<4096x128xf32, #tpu.memory_space<vmem>>, vector<4096x32xf32>
    tpu.vector_store %arg5[%swap3A_27, %swap3A_28], %dot_general3A_26 {strides = array<i32>} : memref<4096x128xf32, #tpu.memory_space<vmem>>, vector<4096x32xf32>,
    return
  }
  func.func @transform_0(%arg0: i32) -> (i32, i32) {
    %mul3A = arith.constant 4 : i32
    %mul3A_0 = arith.muli %mul3A, %arg0 : i32
    %add3A = arith.constant 0 : i32
    %add3A_1 = arith.addi %mul3A_0, %add3A : i32
    %min3A = arith.constant 244 : i32
    %min3A_2 = arith.minsi %add3A_1, %min3A : i32
    %c0_i32 = arith.constant 0 : i32
    %c0_i32_3 = arith.constant 0 : i32
    return %c0_i32, %min3A_2 : i32, i32
  }
  func.func @transform_1(%arg0: i32) -> (i32, i32) {
    %mul3A = arith.constant 4 : i32
    %mul3A_0 = arith.muli %mul3A, %arg0 : i32
    %add3A = arith.constant 1 : i32
    %add3A_1 = arith.addi %mul3A_0, %add3A : i32
    %min3A = arith.constant 244 : i32
    %min3A_2 = arith.minsi %add3A_1, %min3A : i32
    %c0_i32 = arith.constant 0 : i32
    %c0_i32_3 = arith.constant 0 : i32
    return %c0_i32, %min3A_2 : i32, i32
  }
  func.func @transform_2(%arg0: i32) -> (i32, i32) {
    %mul3A = arith.constant 4 : i32
    %mul3A_0 = arith.muli %mul3A, %arg0 : i32
    %add3A = arith.constant 2 : i32
    %add3A_1 = arith.addi %mul3A_0, %add3A : i32
    %min3A = arith.constant 244 : i32
    %min3A_2 = arith.minsi %add3A_1, %min3A : i32
    %c0_i32 = arith.constant 0 : i32
    %c0_i32_3 = arith.constant 0 : i32
    return %c0_i32, %min3A_2 : i32, i32
  }
  func.func @transform_3(%arg0: i32) -> (i32, i32) {
    %mul3A = arith.constant 4 : i32
    %mul3A_0 = arith.muli %mul3A, %arg0 : i32
    %add3A = arith.constant 3 : i32
    %add3A_1 = arith.addi %mul3A_0, %add3A : i32
    %min3A = arith.constant 244 : i32
    %min3A_2 = arith.minsi %add3A_1, %min3A : i32
    %c0_i32 = arith.constant 0 : i32
    %c0_i32_3 = arith.constant 0 : i32
    return %c0_i32, %min3A_2 : i32, i32
  }
  func.func @transform_4(%arg0: i32) -> (i32, i32) {
    %c0_i32 = arith.constant 0 : i32
    %c0_i32_0 = arith.constant 0 : i32
    return %arg0, %c0_i32 : i32, i32
  }
}

module attributes {stable_mosaic.version = 14 : i64} {
  func.func @_mlp_body(%arg0: i32, %arg1: memref<5x1024x128xf32, #tpu.memory_space<vmem>>, %arg2: memref<5x128x128xf32, #tpu.memory_space<vmem>>, %arg3: memref<1x128xf32, #tpu.memory_space<vmem>>, %arg4: memref<128x64xf32, #tpu.memory_space<vmem>>, %arg5: memref<1x64xf32, #tpu.memory_space<vmem>>, %arg6: memref<64x9xf32, #tpu.memory_space<vmem>>, %arg7: memref<1x9xf32, #tpu.memory_space<vmem>>, %arg8: memref<1024x9xf32, #tpu.memory_space<vmem>>) attributes {dimension_semantics = [#tpu.dimension_semantics<arbitrary>], iteration_bounds = array<i64: 16>, scalar_prefetch = 0 : i64, scratch_operands = 0 : i64, tpu.core_type = #tpu.core_type<tc>, window_params = [{transform_indices = @transform_0, window_bounds = array<i64: 5, 1024, 128>}, {pipeline_mode = #tpu.pipeline_mode<synchronous>, transform_indices = @transform_1, window_bounds = array<i64: 5, 128, 128>}, {pipeline_mode = #tpu.pipeline_mode<synchronous>, transform_indices = @transform_2, window_bounds = array<i64: 1, 128>}, {pipeline_mode = #tpu.pipeline_mode<synchronous>, transform_indices = @transform_3, window_bounds = array<i64: 128, 64>}, {pipeline_mode = #tpu.pipeline_mode<synchronous>, transform_indices = @transform_4, window_bounds = array<i64: 1, 64>}, {pipeline_mode = #tpu.pipeline_mode<synchronous>, transform_indices = @transform_5, window_bounds = array<i64: 64, 9>}, {pipeline_mode = #tpu.pipeline_mode<synchronous>, transform_indices = @transform_6, window_bounds = array<i64: 1, 9>}, {transform_indices = @transform_7, window_bounds = array<i64: 1024, 9>}]} {
    %get3A = arith.constant 0 : index
    %get3A_0 = arith.constant 0 : index
    %get3A_1 = vector.load %arg3[%get3A, %get3A_0] : memref<1x128xf32, #tpu.memory_space<vmem>>, vector<1x128xf32>
    %get3A_2 = arith.constant 0 : index
    %get3A_3 = arith.constant 0 : index
    %get3A_4 = arith.constant 0 : index
    %get3A_5 = vector.load %arg1[%get3A_2, %get3A_3, %get3A_4] : memref<5x1024x128xf32, #tpu.memory_space<vmem>>, vector<1x1024x128xf32>
    %get3A_6 = vector.shape_cast %get3A_5 : vector<1x1024x128xf32> to vector<1024x128xf32>
    %get3A_7 = arith.constant 0 : index
    %get3A_8 = arith.constant 0 : index
    %get3A_9 = arith.constant 0 : index
    %get3A_10 = vector.load %arg2[%get3A_7, %get3A_8, %get3A_9] : memref<5x128x128xf32, #tpu.memory_space<vmem>>, vector<1x128x128xf32>
    %get3A_11 = vector.shape_cast %get3A_10 : vector<1x128x128xf32> to vector<128x128xf32>
    %dot_general3A = arith.constant dense<0.000000e+00> : vector<1024x128xf32>
    %dot_general3A_12 = tpu.matmul %get3A_6, %get3A_11, %dot_general3A {dimension_numbers = #tpu.dot_dimension_numbers<[1], [0], [0], [1], [0, 0, 1, 1], [], []>, transpose_lhs_hint = false} : vector<1024x128xf32>, vector<128x128xf32>, vector<1024x128xf32> -> vector<1024x128xf32>
    %add3A = vector.broadcast %get3A_1 : vector<1x128xf32> to vector<1024x128xf32>
    %add3A_13 = arith.addf %add3A, %dot_general3A_12 : vector<1024x128xf32>
    %get3A_14 = arith.constant 1 : index
    %get3A_15 = arith.constant 0 : index
    %get3A_16 = arith.constant 0 : index
    %get3A_17 = vector.load %arg1[%get3A_14, %get3A_15, %get3A_16] : memref<5x1024x128xf32, #tpu.memory_space<vmem>>, vector<1x1024x128xf32>
    %get3A_18 = vector.shape_cast %get3A_17 : vector<1x1024x128xf32> to vector<1024x128xf32>
    %get3A_19 = arith.constant 1 : index
    %get3A_20 = arith.constant 0 : index
    %get3A_21 = arith.constant 0 : index
    %get3A_22 = vector.load %arg2[%get3A_19, %get3A_20, %get3A_21] : memref<5x128x128xf32, #tpu.memory_space<vmem>>, vector<1x128x128xf32>
    %get3A_23 = vector.shape_cast %get3A_22 : vector<1x128x128xf32> to vector<128x128xf32>
    %dot_general3A_24 = arith.constant dense<0.000000e+00> : vector<1024x128xf32>
    %dot_general3A_25 = tpu.matmul %get3A_18, %get3A_23, %dot_general3A_24 {dimension_numbers = #tpu.dot_dimension_numbers<[1], [0], [0], [1], [0, 0, 1, 1], [], []>, transpose_lhs_hint = false} : vector<1024x128xf32>, vector<128x128xf32>, vector<1024x128xf32> -> vector<1024x128xf32>
    %add3A_26 = arith.addf %add3A_13, %dot_general3A_25 : vector<1024x128xf32>
    %get3A_27 = arith.constant 2 : index
    %get3A_28 = arith.constant 0 : index
    %get3A_29 = arith.constant 0 : index
    %get3A_30 = vector.load %arg1[%get3A_27, %get3A_28, %get3A_29] : memref<5x1024x128xf32, #tpu.memory_space<vmem>>, vector<1x1024x128xf32>
    %get3A_31 = vector.shape_cast %get3A_30 : vector<1x1024x128xf32> to vector<1024x128xf32>
    %get3A_32 = arith.constant 2 : index
    %get3A_33 = arith.constant 0 : index
    %get3A_34 = arith.constant 0 : index
    %get3A_35 = vector.load %arg2[%get3A_32, %get3A_33, %get3A_34] : memref<5x128x128xf32, #tpu.memory_space<vmem>>, vector<1x128x128xf32>
    %get3A_36 = vector.shape_cast %get3A_35 : vector<1x128x128xf32> to vector<128x128xf32>
    %dot_general3A_37 = arith.constant dense<0.000000e+00> : vector<1024x128xf32>
    %dot_general3A_38 = tpu.matmul %get3A_31, %get3A_36, %dot_general3A_37 {dimension_numbers = #tpu.dot_dimension_numbers<[1], [0], [0], [1], [0, 0, 1, 1], [], []>, transpose_lhs_hint = false} : vector<1024x128xf32>, vector<128x128xf32>, vector<1024x128xf32> -> vector<1024x128xf32>
    %add3A_39 = arith.addf %add3A_26, %dot_general3A_38 : vector<1024x128xf32>
    %get3A_40 = arith.constant 3 : index
    %get3A_41 = arith.constant 0 : index
    %get3A_42 = arith.constant 0 : index
    %get3A_43 = vector.load %arg1[%get3A_40, %get3A_41, %get3A_42] : memref<5x1024x128xf32, #tpu.memory_space<vmem>>, vector<1x1024x128xf32>
    %get3A_44 = vector.shape_cast %get3A_43 : vector<1x1024x128xf32> to vector<1024x128xf32>
    %get3A_45 = arith.constant 3 : index
    %get3A_46 = arith.constant 0 : index
    %get3A_47 = arith.constant 0 : index
    %get3A_48 = vector.load %arg2[%get3A_45, %get3A_46, %get3A_47] : memref<5x128x128xf32, #tpu.memory_space<vmem>>, vector<1x128x128xf32>
    %get3A_49 = vector.shape_cast %get3A_48 : vector<1x128x128xf32> to vector<128x128xf32>
    %dot_general3A_50 = arith.constant dense<0.000000e+00> : vector<1024x128xf32>
    %dot_general3A_51 = tpu.matmul %get3A_44, %get3A_49, %dot_general3A_50 {dimension_numbers = #tpu.dot_dimension_numbers<[1], [0], [0], [1], [0, 0, 1, 1], [], []>, transpose_lhs_hint = false} : vector<1024x128xf32>, vector<128x128xf32>, vector<1024x128xf32> -> vector<1024x128xf32>
    %add3A_52 = arith.addf %add3A_39, %dot_general3A_51 : vector<1024x128xf32>
    %get3A_53 = arith.constant 4 : index
    %get3A_54 = arith.constant 0 : index
    %get3A_55 = arith.constant 0 : index
    %get3A_56 = vector.load %arg1[%get3A_53, %get3A_54, %get3A_55] : memref<5x1024x128xf32, #tpu.memory_space<vmem>>, vector<1x1024x128xf32>
    %get3A_57 = vector.shape_cast %get3A_56 : vector<1x1024x128xf32> to vector<1024x128xf32>
    %get3A_58 = arith.constant 4 : index
    %get3A_59 = arith.constant 0 : index
    %get3A_60 = arith.constant 0 : index
    %get3A_61 = vector.load %arg2[%get3A_58, %get3A_59, %get3A_60] : memref<5x128x128xf32, #tpu.memory_space<vmem>>, vector<1x128x128xf32>
    %get3A_62 = vector.shape_cast %get3A_61 : vector<1x128x128xf32> to vector<128x128xf32>
    %dot_general3A_63 = arith.constant dense<0.000000e+00> : vector<1024x128xf32>
    %dot_general3A_64 = tpu.matmul %get3A_57, %get3A_62, %dot_general3A_63 {dimension_numbers = #tpu.dot_dimension_numbers<[1], [0], [0], [1], [0, 0, 1, 1], [], []>, transpose_lhs_hint = false} : vector<1024x128xf32>, vector<128x128xf32>, vector<1024x128xf32> -> vector<1024x128xf32>
    %add3A_65 = arith.addf %add3A_52, %dot_general3A_64 : vector<1024x128xf32>
    %max3A = arith.constant 0.000000e+00 : f32
    %max3A_66 = vector.broadcast %max3A : f32 to vector<1024x128xf32>
    %max3A_67 = arith.maximumf %add3A_65, %max3A_66 : vector<1024x128xf32>
    %get3A_68 = arith.constant 0 : index
    %get3A_69 = arith.constant 0 : index
    %get3A_70 = vector.load %arg4[%get3A_68, %get3A_69] : memref<128x64xf32, #tpu.memory_space<vmem>>, vector<128x64xf32>
    %dot_general3A_71 = arith.constant dense<0.000000e+00> : vector<1024x64xf32>
    %dot_general3A_72 = tpu.matmul %max3A_67, %get3A_70, %dot_general3A_71 {dimension_numbers = #tpu.dot_dimension_numbers<[1], [0], [0], [1], [0, 0, 1, 1], [], []>, transpose_lhs_hint = false} : vector<1024x128xf32>, vector<128x64xf32>, vector<1024x64xf32> -> vector<1024x64xf32>
    %get3A_73 = arith.constant 0 : index
    %get3A_74 = arith.constant 0 : index
    %get3A_75 = vector.load %arg5[%get3A_73, %get3A_74] : memref<1x64xf32, #tpu.memory_space<vmem>>, vector<1x64xf32>
    %add3A_76 = vector.broadcast %get3A_75 : vector<1x64xf32> to vector<1024x64xf32>
    %add3A_77 = arith.addf %dot_general3A_72, %add3A_76 : vector<1024x64xf32>
    %max3A_78 = arith.constant 0.000000e+00 : f32
    %max3A_79 = vector.broadcast %max3A_78 : f32 to vector<1024x64xf32>
    %max3A_80 = arith.maximumf %add3A_77, %max3A_79 : vector<1024x64xf32>
    %get3A_81 = arith.constant 0 : index
    %get3A_82 = arith.constant 0 : index
    %get3A_83 = vector.load %arg6[%get3A_81, %get3A_82] : memref<64x9xf32, #tpu.memory_space<vmem>>, vector<64x9xf32>
    %dot_general3A_84 = arith.constant dense<0.000000e+00> : vector<1024x9xf32>
    %dot_general3A_85 = tpu.matmul %max3A_80, %get3A_83, %dot_general3A_84 {dimension_numbers = #tpu.dot_dimension_numbers<[1], [0], [0], [1], [0, 0, 1, 1], [], []>, transpose_lhs_hint = false} : vector<1024x64xf32>, vector<64x9xf32>, vector<1024x9xf32> -> vector<1024x9xf32>
    %get3A_86 = arith.constant 0 : index
    %get3A_87 = arith.constant 0 : index
    %get3A_88 = vector.load %arg7[%get3A_86, %get3A_87] : memref<1x9xf32, #tpu.memory_space<vmem>>, vector<1x9xf32>
    %add3A_89 = vector.broadcast %get3A_88 : vector<1x9xf32> to vector<1024x9xf32>
    %add3A_90 = arith.addf %dot_general3A_85, %add3A_89 : vector<1024x9xf32>
    %swap3A = arith.constant 0 : index
    %swap3A_91 = arith.constant 0 : index
    %swap3A_92 = vector.load %arg8[%swap3A, %swap3A_91] : memref<1024x9xf32, #tpu.memory_space<vmem>>, vector<1024x9xf32>
    tpu.vector_store %arg8[%swap3A, %swap3A_91], %add3A_90 {strides = array<i32>} : memref<1024x9xf32, #tpu.memory_space<vmem>>, vector<1024x9xf32>,
    return
  }
  func.func @transform_0(%arg0: i32) -> (i32, i32, i32) {
    %c0_i32 = arith.constant 0 : i32
    %c0_i32_0 = arith.constant 0 : i32
    %c0_i32_1 = arith.constant 0 : i32
    return %c0_i32, %arg0, %c0_i32_0 : i32, i32, i32
  }
  func.func @transform_1(%arg0: i32) -> (i32, i32, i32) {
    %c0_i32 = arith.constant 0 : i32
    %c0_i32_0 = arith.constant 0 : i32
    %c0_i32_1 = arith.constant 0 : i32
    %c0_i32_2 = arith.constant 0 : i32
    return %c0_i32, %c0_i32_0, %c0_i32_1 : i32, i32, i32
  }
  func.func @transform_2(%arg0: i32) -> (i32, i32) {
    %c0_i32 = arith.constant 0 : i32
    %c0_i32_0 = arith.constant 0 : i32
    %c0_i32_1 = arith.constant 0 : i32
    return %c0_i32, %c0_i32_0 : i32, i32
  }
  func.func @transform_3(%arg0: i32) -> (i32, i32) {
    %c0_i32 = arith.constant 0 : i32
    %c0_i32_0 = arith.constant 0 : i32
    %c0_i32_1 = arith.constant 0 : i32
    return %c0_i32, %c0_i32_0 : i32, i32
  }
  func.func @transform_4(%arg0: i32) -> (i32, i32) {
    %c0_i32 = arith.constant 0 : i32
    %c0_i32_0 = arith.constant 0 : i32
    %c0_i32_1 = arith.constant 0 : i32
    return %c0_i32, %c0_i32_0 : i32, i32
  }
  func.func @transform_5(%arg0: i32) -> (i32, i32) {
    %c0_i32 = arith.constant 0 : i32
    %c0_i32_0 = arith.constant 0 : i32
    %c0_i32_1 = arith.constant 0 : i32
    return %c0_i32, %c0_i32_0 : i32, i32
  }
  func.func @transform_6(%arg0: i32) -> (i32, i32) {
    %c0_i32 = arith.constant 0 : i32
    %c0_i32_0 = arith.constant 0 : i32
    %c0_i32_1 = arith.constant 0 : i32
    return %c0_i32, %c0_i32_0 : i32, i32
  }
  func.func @transform_7(%arg0: i32) -> (i32, i32) {
    %c0_i32 = arith.constant 0 : i32
    %c0_i32_0 = arith.constant 0 : i32
    return %arg0, %c0_i32 : i32, i32
  }
}

</mosaic_0001>

<sc_bundles>
// kernel: kernel.5.cloned.1.call-start
scs
__scs_entry_jumppad:
0x0: {  	(pc) =	sbr.rel $0x88, $3  }
0x1: {  	(tag) =	ssettag $0x0;
	lr =	simm.s32 $0x1  }
0x2: {  	[smem:$0x3F99] =	sst lr;
	_ =	strace $0xD0000000  }
0x3: {  	_ = 	snop  }
0x4: {  	_ = 	snop  }
0x5: {  	_ = 	snop  }
0x6: {  	_ = 	snop  }
0x7: {  	_ = 	snop  }
__scs_overlays_trampoline_lowered:
0x8: {  	[smem:$0x3FA8] =	sst s0  }
0x9: {  	[smem:$0x3FA9] =	sst s1  }
0xa: {  	[smem:$0x3FAA] =	sst s2  }
0xb: {  	[smem:$0x3FAB] =	sst s3  }
0xc: {  	[smem:$0x3FAC] =	sst s4  }
0xd: {  	[smem:$0x3FAD] =	sst s5  }
0xe: {  	[smem:$0x3FAE] =	sst s6  }
0xf: {  	[smem:$0x3FAF] =	sst s7  }
0x10: {  	[smem:$0x3FB0] =	sst s8  }
0x11: {  	[smem:$0x3FB1] =	sst s9;
	s0 =	simm.s32 @!p0 $0x0  }
0x12: {  	s1 =	sld [smem:$0x3F97];
	s0 =	simm.s32 @p0 $0x1  }
0x13: {  	[smem:$0x3FB2] =	sst s0;
	s0 =	simm.s32 @!p1 $0x0  }
0x14: {  	s2 =	sld [smem:$0x3F96];
	s0 =	simm.s32 @p1 $0x1  }
0x15: {  	[smem:$0x3FB3] =	sst s0;
	s0 =	simm.s32 @!p2 $0x0  }
0x16: {  	s3 =	sld [smem:$0x3FDB];
	s0 =	simm.s32 @p2 $0x1  }
0x17: {  	s4 =	simm.s32 $0x1BF5;
	[smem:$0x3FB5] =	sst s0  }
0x18: {  	s0 =	sld [smem:$0x3F98];
	_ =	swait.ge [sflag:s4], $0x0  }
0x19: {  	s7 =	sld [smem:$0x3F99]  }
0x1a: {  	s8 =	sadd.s32 $0xFFFFE003, lr  }
0x1b: {  	s9 =	sadd.s32 $0xFFFFFEF7, lr;
	s5 =	simm.s32 $0xFFFFFFFF;
	p2 =	slt.u32 s8, $0xFFFFF086  }
0x1c: {  	p1 =	slt.u32 s9, $0xF7A;
	s5 =	simm.s32 @!p2 $0x0  }
0x1d: {  	s5 =	simm.s32 @p1 $0x1;
	p0 =	seq.s32 s7, s2  }
0x1e: {  	s7 =	smul.u32 @!p0 $0xF7A, s2;
	p2 =	seq.s32 @!p0 s5, $0x0  }
0x1f: {  	s9 =	smul.u32 $0xF7A, s1;
	s8 =	simm.s32 @!p0 $0x1BF5;
	p2 =	por !p2, p0  }
0x20: {  	[sflag:s8] =	ssyncset.s32 @!p0 $0xFFFFF086;
	s6 =	sadd.s32 @!p0 s3, s7;
	s7 =	simm.s32 @!p0 $0x108  }
0x21: {  	s3 =	sadd.s32 s3, s9;
	s6 =	sadd.s32 @!p0 $0x88, s6;
	s7 =	simm.s32 @p2 $0x1082  }
0x22: {  	[simem:s7], [sflag:s8] =	dma.local @!p0 [hbm:s6], $0xF7A  }
0x23: {  	s9 =	sor.u32 $0xD0000000, s2;
	s6 =	simm.s32 $0x108;
	_ =	swait.ge @!p0 [sflag:s8], $0x0  }
0x24: {  	s3 =	sadd.s32 $0x88, s3;
	s6 =	simm.s32 @!p1 $0x1082;
	[sflag:s4] =	ssyncset.s32 $0xFFFFF086  }
0x25: {  	[simem:s6], [sflag:s4] =	dma.local [hbm:s3], $0xF7A  }
0x26: {  	[smem:$0x3F99] =	sst s1;
	(tag) =	ssettag s2;
	_ =	strace s9  }
0x27: {  	s1 =	sld [smem:$0x3FA9]  }
0x28: {  	s2 =	sld [smem:$0x3FAA]  }
0x29: {  	s4 =	sld [smem:$0x3FAC]  }
0x2a: {  	p0 =	seq.s32 s5, $0x0;
	s5 =	sld [smem:$0x3FAD]  }
0x2b: {  	s6 =	sld [smem:$0x3FAE]  }
0x2c: {  	s7 =	sld [smem:$0x3FAF]  }
0x2d: {  	s3 =	simm.s32 $0x108;
	s8 =	sld [smem:$0x3FB0]  }
0x2e: {  	s3 =	simm.s32 @!p0 $0x1082;
	s9 =	sld [smem:$0x3FB1]  }
0x2f: {  	lr =	sadd.s32 s0, s3;
	s0 =	sld [smem:$0x3FA8]  }
0x30: {  	s3 =	sld [smem:$0x3FAB]  }
0x31: {  	[smem:$0x3FB4] =	sst s10  }
0x32: {  	s10 =	sld [smem:$0x3FB2];
	_ =	sdelay $0x3  }
0x33: {  	p0 =	seq.s32 s10, $0x1;
	s10 =	sld [smem:$0x3FB4];
	_ =	sdelay $0x3  }
0x34: {  	[smem:$0x3FB4] =	sst s10  }
0x35: {  	s10 =	sld [smem:$0x3FB3];
	_ =	sdelay $0x3  }
0x36: {  	p1 =	seq.s32 s10, $0x1;
	s10 =	sld [smem:$0x3FB4];
	_ =	sdelay $0x3  }
0x37: {  	[smem:$0x3FB4] =	sst s10  }
0x38: {  	s10 =	sld [smem:$0x3FB5]  }
0x39: {  	_ = 	snop;
	(pc) =	sbr.ind lr, $3  }
0x3a: {  	_ = 	snop  }
0x3b: {  	_ = 	snop  }
0x3c: {  	p2 =	seq.s32 s10, $0x1;
	s10 =	sld [smem:$0x3FB4]  }
0x3d: {  	_ =	shalt  }
0x3e: {  	_ =	shalt  }
0x3f: {  	_ =	shalt  }
0x40: {  	_ =	shalt  }
0x41: {  	_ =	shalt  }
0x42: {  	_ =	shalt  }
0x43: {  	_ =	shalt  }
0x44: {  	_ =	shalt  }
0x45: {  	_ =	shalt  }
0x46: {  	_ =	shalt  }
0x47: {  	_ =	shalt  }
0x48: {  	_ =	shalt  }
0x49: {  	_ =	shalt  }
0x4a: {  	_ =	shalt  }
0x4b: {  	_ =	shalt  }
0x4c: {  	_ =	shalt  }
0x4d: {  	_ =	shalt  }
0x4e: {  	_ =	shalt  }
0x4f: {  	_ =	shalt  }
0x50: {  	_ =	shalt  }
0x51: {  	_ =	shalt  }
0x52: {  	_ =	shalt  }
0x53: {  	_ =	shalt  }
0x54: {  	_ =	shalt  }
0x55: {  	_ =	shalt  }
0x56: {  	_ =	shalt  }
0x57: {  	_ =	shalt  }
0x58: {  	_ =	shalt  }
0x59: {  	_ =	shalt  }
0x5a: {  	_ =	shalt  }
0x5b: {  	_ =	shalt  }
0x5c: {  	_ =	shalt  }
0x5d: {  	_ =	shalt  }
0x5e: {  	_ =	shalt  }
0x5f: {  	_ =	shalt  }
0x60: {  	_ =	shalt  }
0x61: {  	_ =	shalt  }
0x62: {  	_ =	shalt  }
0x63: {  	_ =	shalt  }
0x64: {  	_ =	shalt  }
0x65: {  	_ =	shalt  }
0x66: {  	_ =	shalt  }
0x67: {  	_ =	shalt  }
0x68: {  	_ =	shalt  }
0x69: {  	_ =	shalt  }
0x6a: {  	_ =	shalt  }
0x6b: {  	_ =	shalt  }
0x6c: {  	_ =	shalt  }
0x6d: {  	_ =	shalt  }
0x6e: {  	_ =	shalt  }
0x6f: {  	_ =	shalt  }
0x70: {  	_ =	shalt  }
0x71: {  	_ =	shalt  }
0x72: {  	_ =	shalt  }
0x73: {  	_ =	shalt  }
0x74: {  	_ =	shalt  }
0x75: {  	_ =	shalt  }
0x76: {  	_ =	shalt  }
0x77: {  	_ =	shalt  }
0x78: {  	_ =	shalt  }
0x79: {  	_ =	shalt  }
0x7a: {  	_ =	shalt  }
0x7b: {  	_ =	shalt  }
0x7c: {  	_ =	shalt  }
0x7d: {  	_ =	shalt  }
0x7e: {  	_ =	shalt  }
0x7f: {  	_ =	shalt  }
0x80: {  	_ =	shalt  }
0x81: {  	_ =	shalt  }
0x82: {  	_ =	shalt  }
0x83: {  	_ =	shalt  }
0x84: {  	_ =	shalt  }
0x85: {  	_ =	shalt  }
0x86: {  	_ =	shalt  }
0x87: {  	_ =	shalt  }
.Lfunc_end0:
.L_simem_size_0:
called_computation_lowered:
.L_overlay_start_0:
0x88: {  	s2 =	sld [smem:$0x3FD9]  }
0x89: {  	s3 =	sld [smem:$0x3FFE];
	_ =	sdelay $0x1  }
0x8a: {  	s1 =	srdreg.scid  }
0x8b: {  	s0 =	sand.u32 $0x1, s1  }
0x8c: {  	s16 =	sshll.u32 s0, $0xA;
	s2 =	sadd.s32 s3, s2  }
0x8d: {  	s2 =	sadd.s32 s2, s16  }
0x8e: {  	[smem:$0x3FC0] =	sst s2  }
0x8f: {  	_ = 	snop  }
0x90: {  	(tm) =	ssettm $0x1  }
0x91: {  	s17 =	sld [smem:$0x3FFB];
	_ =	sdelay $0x3  }
0x92: {  	_ =	strace s17  }
0x93: {  	s2 =	sld [smem:$0x3FFC];
	_ =	sdelay $0x3  }
0x94: {  	_ =	strace s2  }
0x95: {  	s2 =	sld [smem:$0x3FFD];
	_ =	sdelay $0x3  }
0x96: {  	_ =	strace s2  }
0x97: {  	_ =	strace $0x8FFFFFFF  }
0x98: {  	s18 =	sld [smem:$0x3FDB];
	_ =	sdelay $0x1  }
0x99: {  	s19 =	simm.s32 $_scs_section_size  }
0x9a: {  	s4 =	simm.s32 $_size__tile_overlayer_lowered;
	s5 =	simm.s32 $_tile_overlayer_lowered  }
0x9b: {  	s22 =	simm.s32 $0x1BFF;
	s21 =	sshll.u32 s5, $0x1;
	s2 =	sadd.s32 s19, s18  }
0x9c: {  	s6 =	simm.s32 $0x0;
	s20 =	sshll.u32 s4, $0x1;
	s4 =	sadd.s32 s21, s2  }
0x9d: {  	[timem:s6], [sflag:s22] =	dma.local [hbm:s4], s20  }
0x9e: {  	_ =	swait.ge [sflag:s22], s20  }
0x9f: {  	s3 =	ssub.s32 $0x0, s20;
	[sflag:s22] =	ssyncset.done $0x0  }
0xa0: {  	[sflag:s22] =	ssyncadd.s32 s3;
	_ =	sdelay $0x1  }
0xa1: {  	s23 =	simm.s32 $0x1B8B  }
0xa2: {  	_ =	swait.ge [sflag:s23], $0x1  }
0xa3: {  	[sflag:s23] =	ssyncset.done $0x0  }
0xa4: {  	s25 =	simm.s32 $0x1B8E;
	s24 =	sld [smem:$0x3FFE];
	[sflag:s23] =	ssyncadd.s32 $0xFFFFFFFF  }
0xa5: {  	s26 =	simm.s32 $execute0_lowered;
	[smem:$0x3FD2] =	sst s25  }
0xa6: {  	s4 =	sshll.u32 s26, $0x1;
	_ =	strace $0x80000046;
	[dreg:$0x1] =	wrdreg $0xFFFFFFFF  }
0xa7: {  	s28 =	simm.s32 $_size_execute0_lowered;
	s2 =	sadd.s32 s2, s4;
	[dreg:$0x0] =	wrdreg $0x0  }
0xa8: {  	s4 =	sshll.u32 s28, $0x1;
	[dreg:$0x2] =	wrdreg s2  }
0xa9: {  	[dreg:$0x3] =	wrdreg s4  }
0xaa: {  	[dreg:$0x4] =	wrdreg $0xC0  }
0xab: {  	_ =	task [dreg:s6], $0x5FFFF  }
0xac: {  	[dreg:$0x1] =	wrdreg $0xFFFFFFFF  }
0xad: {  	[dreg:$0x0] =	wrdreg $0x60  }
0xae: {  	[dreg:$0x2] =	wrdreg s24  }
0xaf: {  	[dreg:$0x3] =	wrdreg $0x9  }
0xb0: {  	_ =	task.clear_ibuf [dreg:s6], $0x4FFFF;
	_ =	strace $0x90000046  }
0xb1: {  	s29 =	simm.s32 $0x9;
	_ =	strace $0x80000048  }
0xb2: {  	_ =	swait.ge [sflag:s29], $0x1  }
0xb3: {  	[sflag:s29] =	ssyncadd.s32 $0xFFFFFFFF  }
0xb4: {  	_ =	strace $0x90000048  }
0xb5: {  	_ =	sfence  }
0xb6: {  	s30 =	sld [smem:$0x0];
	_ =	sdelay $0x2  }
0xb7: {  	s31 =	sshll.u32 s1, $0xD;
	s1 =	sshrl.u32 s1, $0x2  }
0xb8: {  	s3 =	sand.u32 $0x4000, s31;
	s1 =	sadd.s32 s1, s30  }
0xb9: {  	s0 =	sor.u32 s3, s0;
	s1 =	sshll.u32 s1, $0x11  }
0xba: {  	s0 =	sor.u32 s1, s0  }
0xbb: {  	s0 =	sadd.s32 $0x8F2B, s0  }
0xbc: {  	[sflag:s0] =	ssyncadd.remote.s32 $0x1  }
0xbd: {  	_ =	sfence.sel $0xFFFF  }
0xbe: {  	[dreg:$0x0] =	wrdreg $0xFFFFFFFF;
	(pc) =	sbr.abs _section_cstart, $3  }
0xbf: {  	[dreg:$0x1] =	wrdreg $0xFFFFFFFF  }
0xc0: {  	_ =	task.clear_ibuf [dreg:s6], $0x2FFFF;
	_ =	strace $0x9FFFFFFF  }
0xc1: {  	(tm) =	ssettm $0x7FFFFFFF  }
tec
execute0_lowered:
.L_overlay_start_1:
0x0: {  	(tag) =	ssettag $0x1  }
0x1: {  	s0 =	rddreg [dreg:$0x0];
	s1 =	simm.s32 $0x0  }
0x2: {  	[smem:$0x7FF] =	sst s1;
	s2 =	sadd.s32 $0x3E1200, s0  }
0x3: {  	s3 =	sadd.s32 $0x421200, s0;
	_ =	strace $0x80000047;
	[dreg:$0x2] =	wrdreg s2  }
0x4: {  	s5 =	sadd.s32 $0x421204, s0;
	[dreg:$0x3] =	wrdreg s3  }
0x5: {  	s9 =	sadd.s32 $0x421208, s0;
	[dreg:$0x4] =	wrdreg s5  }
0x6: {  	s10 =	sadd.s32 $0x42120C, s0;
	[dreg:$0x5] =	wrdreg s9  }
0x7: {  	s11 =	sadd.s32 $0x461200, s0;
	[dreg:$0x6] =	wrdreg s10  }
0x8: {  	s12 =	sadd.s32 $0x461204, s0;
	[dreg:$0x7] =	wrdreg s11  }
0x9: {  	s13 =	sadd.s32 $0x461208, s0;
	[dreg:$0x8] =	wrdreg s12  }
0xa: {  	s14 =	sadd.s32 $0x46120C, s0;
	[dreg:$0x9] =	wrdreg s13  }
0xb: {  	s15 =	sadd.s32 $0x4A1200, s0;
	[dreg:$0xa] =	wrdreg s14  }
0xc: {  	s16 =	sadd.s32 $0x4A1204, s0;
	[dreg:$0xb] =	wrdreg s15  }
0xd: {  	s17 =	sadd.s32 $0x4A1208, s0;
	[dreg:$0xc] =	wrdreg s16  }
0xe: {  	s7 =	srdreg.scid;
	s18 =	sadd.s32 $0x4A120C, s0;
	[dreg:$0xd] =	wrdreg s17  }
0xf: {  	s8 =	stileid.u32;
	s6 =	sadd.s32 $0x4E1200, s0;
	[dreg:$0xe] =	wrdreg s18  }
0x10: {  	s28 =	simm.s32 $0x2;
	s20 =	sadd.s32 $0x4E1204, s0;
	[dreg:$0xf] =	wrdreg s6  }
0x11: {  	s29 =	simm.s32 $0x80;
	s21 =	sadd.s32 $0x4E1208, s0;
	[dreg:$0x10] =	wrdreg s20  }
0x12: {  	s31 =	simm.s32 $0x4A00;
	s22 =	sadd.s32 $0x4E120C, s0;
	[dreg:$0x11] =	wrdreg s21  }
0x13: {  	s30 =	simm.s32 $0x6A00;
	s23 =	sadd.s32 $0x521200, s0;
	[dreg:$0x12] =	wrdreg s22  }
0x14: {  	s24 =	sadd.s32 $0x521204, s0;
	s25 =	sadd.s32 $0x521208, s0;
	[dreg:$0x14] =	wrdreg s23  }
0x15: {  	s2 =	sand.u32 $0x1, s7;
	s3 =	sshll.u32 s8, $0xE;
	[dreg:$0x15] =	wrdreg s24  }
0x16: {  	s12 =	sadd.s32 $0x1200, s0;
	[dreg:$0x16] =	wrdreg s25;
	s0 =	sadd.s32 $0x52120C, s0  }
0x17: {  	s5 =	simm.s32 $0xBA00;
	s6 =	simm.s32 $0xCA00;
	s7 =	simm.s32 $0xDA00  }
0x18: {  	s8 =	simm.s32 $0xEA00;
	s9 =	simm.s32 $0xFA00;
	s10 =	simm.s32 $0x10A00  }
0x19: {  	s11 =	simm.s32 $0x11A00;
	s13 =	simm.s32 $0x12A00;
	s14 =	simm.s32 $0x13A00  }
0x1a: {  	s15 =	simm.s32 $0x14A00;
	s16 =	simm.s32 $0x15A00;
	s17 =	simm.s32 $0x16A00  }
0x1b: {  	v0 =	vlaneseq.u32;
	s18 =	simm.s32 $0x17A00;
	s20 =	simm.s32 $0x20;
	s22 =	simm.s32 $0x0  }
0x1c: {  	v0 =	vmul.u32 $0x80, v0;
	s4 =	sshll.u32 s2, $0xD;
	s2 =	ssub.s32 $0x2, s2;
	[dreg:$0x17] =	wrdreg s0  }
0x1d: {  	s0 =	simm.s32 $0x8A00;
	s19 =	sshrl.u32 s2, $0x1;
	s3 =	sor.u32 s4, s3  }
0x1e: {  	v1 =	vor.u32 $0x800, v0;
	s4 =	simm.s32 $0xAA00;
	s2 =	ssub.s32 s2, s19;
	[dreg:$0x13] =	wrdreg s3  }
0x1f: {  	v2 =	vor.u32 $0x1000, v0;
	v3 =	vor.u32 $0x1800, v0;
	v4 =	vor.u32 $0x2000, v0;
	s3 =	simm.s32 $0x9A00;
	s19 =	simm.s32 $0x1;
	s26 =	smax.u32 s2, $0x1  }
0x20: {  	v5 =	vor.u32 $0x2800, v0;
	v6 =	vor.u32 $0x3000, v0;
	v7 =	vor.u32 $0x3800, v0;
	s2 =	simm.s32 $0x5A00;
	[dreg:$0x18] =	wrdreg s26;
	s26 =	simm.s32 $0x7A00  }
.LBB2_1:
0x21: {  	[dreg:$0x19] =	wrdreg s22;
	s21 =	simm.s32 $0x0  }
.LBB2_2:
0x22: {  	s23 =	simm.s32 $0x0  }
0x23: {  	v8 =	vmov s23  }
0x24: {  	v8 =	vand.u32 $0x1F, v8  }
0x25: {  	s22 =	sshll.u32 s21, $0xB;
	s24 =	rddreg [dreg:$0x13];
	v8 =	vbroadcast v8, $0x0  }
0x26: {  	s25 =	rddreg [dreg:$0x2];
	s22 =	sadd.s32 s24, s22  }
0x27: {  	s24 =	sadd.s32 s25, s22;
	v9 =	vor.u32 v0, v8  }
0x28: {  	[tilespmem:s23], [sflag:$0x2] =	stream.linear.gather [hbm4b:s24+s23], $0x4000, $0x38;
	[tilespmem:$0x18A00] =	vst v63  }
0x29: {  	_ =	swait.ge [sflag:s28], $0x4000  }
0x2a: {  	[sflag:s28] =	ssyncset.done $0x0  }
0x2b: {  	[sflag:s28] =	ssyncadd.s32 $0xFFFFC000  }
0x2c: {  	v9 =	vld.idx.msk [tilespmem:v9+s1+$0x0], $0xffff;
	_ =	sdelay $0x4  }
0x2d: {  	v11 =	vor.u32 v1, v8;
	v10 =	vshll.u32 v9, $0x2  }
0x2e: {  	v12 =	vshrl.u32 v9, $0xC;
	v9 =	vand.u32 $0xFFFFC000, v9;
	v10 =	vand.u32 $0x3FFC, v10  }
0x2f: {  	v9 =	vor.u32 v9, v10;
	v10 =	vand.u32 $0x3, v12  }
0x30: {  	s23 =	simm.s32 $0x4040;
	v9 =	vor.u32 v10, v9  }
0x31: {  	[tilespmem:s23+$0xFFFFFFC0] =	vst v9  }
0x32: {  	v9 =	vld.idx.msk [tilespmem:v11+s1+$0x0], $0xffff;
	_ =	sdelay $0x4  }
0x33: {  	v11 =	vor.u32 v2, v8;
	v10 =	vshll.u32 v9, $0x2  }
0x34: {  	v59 =	vshrl.u32 v9, $0xC;
	v9 =	vand.u32 $0xFFFFC000, v9;
	v10 =	vand.u32 $0x3FFC, v10  }
0x35: {  	v9 =	vor.u32 v9, v10;
	v10 =	vand.u32 $0x3, v59  }
0x36: {  	v9 =	vor.u32 v10, v9  }
0x37: {  	[tilespmem:s23+$0xFFFFFFD0] =	vst v9  }
0x38: {  	v9 =	vld.idx.msk [tilespmem:v11+s1+$0x0], $0xffff;
	_ =	sdelay $0x4  }
0x39: {  	v11 =	vor.u32 v3, v8;
	v10 =	vshll.u32 v9, $0x2  }
0x3a: {  	v60 =	vshrl.u32 v9, $0xC;
	v9 =	vand.u32 $0xFFFFC000, v9;
	v10 =	vand.u32 $0x3FFC, v10  }
0x3b: {  	v9 =	vor.u32 v9, v10;
	v10 =	vand.u32 $0x3, v60  }
0x3c: {  	v9 =	vor.u32 v10, v9  }
0x3d: {  	[tilespmem:s23+$0xFFFFFFE0] =	vst v9  }
0x3e: {  	v9 =	vld.idx.msk [tilespmem:v11+s1+$0x0], $0xffff;
	_ =	sdelay $0x4  }
0x3f: {  	v11 =	vor.u32 v4, v8;
	v10 =	vshll.u32 v9, $0x2  }
0x40: {  	v61 =	vshrl.u32 v9, $0xC;
	v9 =	vand.u32 $0xFFFFC000, v9;
	v10 =	vand.u32 $0x3FFC, v10  }
0x41: {  	v9 =	vor.u32 v9, v10;
	v10 =	vand.u32 $0x3, v61  }
0x42: {  	v9 =	vor.u32 v10, v9  }
0x43: {  	[tilespmem:s23+$0xFFFFFFF0] =	vst v9  }
0x44: {  	v9 =	vld.idx.msk [tilespmem:v11+s1+$0x0], $0xffff;
	_ =	sdelay $0x4  }
0x45: {  	v11 =	vor.u32 v5, v8;
	v10 =	vshll.u32 v9, $0x2  }
0x46: {  	v62 =	vshrl.u32 v9, $0xC;
	v9 =	vand.u32 $0xFFFFC000, v9;
	v10 =	vand.u32 $0x3FFC, v10  }
0x47: {  	v9 =	vor.u32 v9, v10;
	v10 =	vand.u32 $0x3, v62  }
0x48: {  	v9 =	vor.u32 v10, v9  }
0x49: {  	[tilespmem:s23+$0x0] =	vst v9  }
0x4a: {  	v9 =	vld.idx.msk [tilespmem:v11+s1+$0x0], $0xffff;
	_ =	sdelay $0x4  }
0x4b: {  	v11 =	vor.u32 v6, v8;
	v10 =	vshll.u32 v9, $0x2  }
0x4c: {  	v63 =	vshrl.u32 v9, $0xC;
	v9 =	vand.u32 $0xFFFFC000, v9;
	v10 =	vand.u32 $0x3FFC, v10  }
0x4d: {  	v9 =	vor.u32 v9, v10;
	v10 =	vand.u32 $0x3, v63  }
0x4e: {  	v9 =	vor.u32 v10, v9  }
0x4f: {  	[tilespmem:s23+$0x10] =	vst v9  }
0x50: {  	v9 =	vld.idx.msk [tilespmem:v11+s1+$0x0], $0xffff;
	_ =	sdelay $0x4  }
0x51: {  	v8 =	vor.u32 v7, v8;
	v10 =	vshll.u32 v9, $0x2  }
0x52: {  	v11 =	vshrl.u32 v9, $0xC;
	v9 =	vand.u32 $0xFFFFC000, v9;
	v10 =	vand.u32 $0x3FFC, v10  }
0x53: {  	v9 =	vor.u32 v9, v10;
	v10 =	vand.u32 $0x3, v11  }
0x54: {  	v9 =	vor.u32 v10, v9  }
0x55: {  	[tilespmem:s23+$0x20] =	vst v9  }
0x56: {  	v9 =	vld.idx.msk [tilespmem:v8+s1+$0x0], $0xffff;
	_ =	sdelay $0x1  }
0x57: {  	s25 =	simm.s32 $0x1  }
0x58: {  	v8 =	vmov s25  }
0x59: {  	v8 =	vand.u32 $0x1F, v8  }
0x5a: {  	v8 =	vbroadcast v8, $0x0;
	v10 =	vshll.u32 v9, $0x2  }
0x5b: {  	v11 =	vshrl.u32 v9, $0xC;
	v9 =	vand.u32 $0xFFFFC000, v9;
	v10 =	vand.u32 $0x3FFC, v10  }
0x5c: {  	v10 =	vor.u32 v9, v10;
	v9 =	vor.u32 v0, v8  }
0x5d: {  	v11 =	vand.u32 $0x3, v11  }
0x5e: {  	s24 =	simm.s32 $0x2;
	v10 =	vor.u32 v11, v10  }
.LBB2_3:
0x5f: {  	p0 =	sne.s32 s24, $0x13  }
0x60: {  	[tilespmem:s23+$0x30] =	vst v10;
	s23 =	sadd.s32 $0x80, s23;
	s25 =	smov.u32 s24;
	s24 =	sadd.s32 $0x1, s24  }
0x61: {  	v9 =	vld.idx.msk [tilespmem:v9+s1+$0x0], $0xffff;
	_ =	sdelay $0x5  }
0x62: {  	v12 =	vor.u32 v1, v8;
	v10 =	vshll.u32 v9, $0x2;
	v11 =	vshrl.u32 v9, $0xC  }
0x63: {  	v9 =	vand.u32 $0xFFFFC000, v9;
	v10 =	vand.u32 $0x3FFC, v10  }
0x64: {  	v9 =	vor.u32 v9, v10;
	v10 =	vand.u32 $0x3, v11  }
0x65: {  	v9 =	vor.u32 v10, v9  }
0x66: {  	[tilespmem:s23+$0xFFFFFFC0] =	vst v9  }
0x67: {  	v9 =	vld.idx.msk [tilespmem:v12+s1+$0x0], $0xffff;
	_ =	sdelay $0x5  }
0x68: {  	v12 =	vor.u32 v2, v8;
	v10 =	vshll.u32 v9, $0x2;
	v11 =	vshrl.u32 v9, $0xC  }
0x69: {  	v9 =	vand.u32 $0xFFFFC000, v9;
	v10 =	vand.u32 $0x3FFC, v10  }
0x6a: {  	v9 =	vor.u32 v9, v10;
	v10 =	vand.u32 $0x3, v11  }
0x6b: {  	v9 =	vor.u32 v10, v9  }
0x6c: {  	[tilespmem:s23+$0xFFFFFFD0] =	vst v9  }
0x6d: {  	v9 =	vld.idx.msk [tilespmem:v12+s1+$0x0], $0xffff;
	_ =	sdelay $0x5  }
0x6e: {  	v12 =	vor.u32 v3, v8;
	v10 =	vshll.u32 v9, $0x2;
	v11 =	vshrl.u32 v9, $0xC  }
0x6f: {  	v9 =	vand.u32 $0xFFFFC000, v9;
	v10 =	vand.u32 $0x3FFC, v10  }
0x70: {  	v9 =	vor.u32 v9, v10;
	v10 =	vand.u32 $0x3, v11  }
0x71: {  	v9 =	vor.u32 v10, v9  }
0x72: {  	[tilespmem:s23+$0xFFFFFFE0] =	vst v9  }
0x73: {  	v9 =	vld.idx.msk [tilespmem:v12+s1+$0x0], $0xffff;
	_ =	sdelay $0x5  }
0x74: {  	v12 =	vor.u32 v4, v8;
	v10 =	vshll.u32 v9, $0x2;
	v11 =	vshrl.u32 v9, $0xC  }
0x75: {  	v9 =	vand.u32 $0xFFFFC000, v9;
	v10 =	vand.u32 $0x3FFC, v10  }
0x76: {  	v9 =	vor.u32 v9, v10;
	v10 =	vand.u32 $0x3, v11  }
0x77: {  	v9 =	vor.u32 v10, v9  }
0x78: {  	[tilespmem:s23+$0xFFFFFFF0] =	vst v9  }
0x79: {  	v9 =	vld.idx.msk [tilespmem:v12+s1+$0x0], $0xffff;
	_ =	sdelay $0x5  }
0x7a: {  	v12 =	vor.u32 v5, v8;
	v10 =	vshll.u32 v9, $0x2;
	v11 =	vshrl.u32 v9, $0xC  }
0x7b: {  	v9 =	vand.u32 $0xFFFFC000, v9;
	v10 =	vand.u32 $0x3FFC, v10  }
0x7c: {  	v9 =	vor.u32 v9, v10;
	v10 =	vand.u32 $0x3, v11  }
0x7d: {  	v9 =	vor.u32 v10, v9  }
0x7e: {  	[tilespmem:s23+$0x0] =	vst v9  }
0x7f: {  	v9 =	vld.idx.msk [tilespmem:v12+s1+$0x0], $0xffff;
	_ =	sdelay $0x5  }
0x80: {  	v12 =	vor.u32 v6, v8;
	v10 =	vshll.u32 v9, $0x2;
	v11 =	vshrl.u32 v9, $0xC  }
0x81: {  	v9 =	vand.u32 $0xFFFFC000, v9;
	v10 =	vand.u32 $0x3FFC, v10  }
0x82: {  	v9 =	vor.u32 v9, v10;
	v10 =	vand.u32 $0x3, v11  }
0x83: {  	v9 =	vor.u32 v10, v9  }
0x84: {  	[tilespmem:s23+$0x10] =	vst v9  }
0x85: {  	v9 =	vld.idx.msk [tilespmem:v12+s1+$0x0], $0xffff;
	_ =	sdelay $0x5  }
0x86: {  	v8 =	vor.u32 v7, v8;
	v10 =	vshll.u32 v9, $0x2;
	v11 =	vshrl.u32 v9, $0xC  }
0x87: {  	v9 =	vand.u32 $0xFFFFC000, v9;
	v10 =	vand.u32 $0x3FFC, v10  }
0x88: {  	v9 =	vor.u32 v9, v10;
	v10 =	vand.u32 $0x3, v11  }
0x89: {  	v9 =	vor.u32 v10, v9  }
0x8a: {  	[tilespmem:s23+$0x20] =	vst v9  }
0x8b: {  	v10 =	vld.idx.msk [tilespmem:v8+s1+$0x0], $0xffff;
	_ =	sdelay $0x1  }
0x8c: {  	v8 =	vmov s25  }
0x8d: {  	v8 =	vand.u32 $0x1F, v8  }
0x8e: {  	v8 =	vbroadcast v8, $0x0  }
.Ltmp0:
0x8f: {  	(pc) =	sbr.rel @p0 .LBB2_3-.Ltmp0, $4  }
0x90: {  	v9 =	vor.u32 v0, v8;
	v11 =	vshll.u32 v10, $0x2;
	v12 =	vshrl.u32 v10, $0xC  }
0x91: {  	v10 =	vand.u32 $0xFFFFC000, v10;
	v11 =	vand.u32 $0x3FFC, v11  }
0x92: {  	v10 =	vor.u32 v10, v11;
	v11 =	vand.u32 $0x3, v12  }
0x93: {  	v10 =	vor.u32 v11, v10  }
0x94: {  	_ =	sdelay $0x2  }
0x95: {  	[tilespmem:s23+$0x30] =	vst v10  }
0x96: {  	v9 =	vld.idx.msk [tilespmem:v9+s1+$0x0], $0xffff;
	_ =	sdelay $0x4  }
0x97: {  	v11 =	vor.u32 v1, v8;
	v37 =	vshll.u32 v9, $0x2  }
0x98: {  	v12 =	vshrl.u32 v9, $0xC;
	v9 =	vand.u32 $0xFFFFC000, v9;
	v10 =	vand.u32 $0x3FFC, v37  }
0x99: {  	v38 =	vand.u32 $0x3, v12;
	v9 =	vor.u32 v9, v10  }
0x9a: {  	s24 =	sadd.s32 $0x80, s23;
	v9 =	vor.u32 v38, v9  }
0x9b: {  	[tilespmem:s24+$0xFFFFFFC0] =	vst v9  }
0x9c: {  	v9 =	vld.idx.msk [tilespmem:v11+s1+$0x0], $0xffff;
	_ =	sdelay $0x4  }
0x9d: {  	v40 =	vor.u32 v2, v8;
	v39 =	vshll.u32 v9, $0x2  }
0x9e: {  	v41 =	vshrl.u32 v9, $0xC;
	v9 =	vand.u32 $0xFFFFC000, v9;
	v10 =	vand.u32 $0x3FFC, v39  }
0x9f: {  	v42 =	vand.u32 $0x3, v41;
	v9 =	vor.u32 v9, v10  }
0xa0: {  	v9 =	vor.u32 v42, v9  }
0xa1: {  	[tilespmem:s24+$0xFFFFFFD0] =	vst v9  }
0xa2: {  	v9 =	vld.idx.msk [tilespmem:v40+s1+$0x0], $0xffff;
	_ =	sdelay $0x4  }
0xa3: {  	v44 =	vor.u32 v3, v8;
	v43 =	vshll.u32 v9, $0x2  }
0xa4: {  	v45 =	vshrl.u32 v9, $0xC;
	v9 =	vand.u32 $0xFFFFC000, v9;
	v10 =	vand.u32 $0x3FFC, v43  }
0xa5: {  	v46 =	vand.u32 $0x3, v45;
	v9 =	vor.u32 v9, v10  }
0xa6: {  	v9 =	vor.u32 v46, v9  }
0xa7: {  	[tilespmem:s24+$0xFFFFFFE0] =	vst v9  }
0xa8: {  	v9 =	vld.idx.msk [tilespmem:v44+s1+$0x0], $0xffff;
	_ =	sdelay $0x4  }
0xa9: {  	v48 =	vor.u32 v4, v8;
	v47 =	vshll.u32 v9, $0x2  }
0xaa: {  	v49 =	vshrl.u32 v9, $0xC;
	v9 =	vand.u32 $0xFFFFC000, v9;
	v10 =	vand.u32 $0x3FFC, v47  }
0xab: {  	v50 =	vand.u32 $0x3, v49;
	v9 =	vor.u32 v9, v10  }
0xac: {  	v9 =	vor.u32 v50, v9  }
0xad: {  	[tilespmem:s24+$0xFFFFFFF0] =	vst v9  }
0xae: {  	v9 =	vld.idx.msk [tilespmem:v48+s1+$0x0], $0xffff;
	_ =	sdelay $0x4  }
0xaf: {  	v52 =	vor.u32 v5, v8;
	v51 =	vshll.u32 v9, $0x2  }
0xb0: {  	v53 =	vshrl.u32 v9, $0xC;
	v9 =	vand.u32 $0xFFFFC000, v9;
	v10 =	vand.u32 $0x3FFC, v51  }
0xb1: {  	v54 =	vand.u32 $0x3, v53;
	v9 =	vor.u32 v9, v10  }
0xb2: {  	v9 =	vor.u32 v54, v9  }
0xb3: {  	[tilespmem:s24+$0x0] =	vst v9  }
0xb4: {  	v9 =	vld.idx.msk [tilespmem:v52+s1+$0x0], $0xffff;
	_ =	sdelay $0x4  }
0xb5: {  	v56 =	vor.u32 v6, v8;
	v55 =	vshll.u32 v9, $0x2  }
0xb6: {  	v57 =	vshrl.u32 v9, $0xC;
	v9 =	vand.u32 $0xFFFFC000, v9;
	v10 =	vand.u32 $0x3FFC, v55  }
0xb7: {  	v58 =	vand.u32 $0x3, v57;
	v9 =	vor.u32 v9, v10  }
0xb8: {  	v9 =	vor.u32 v58, v9  }
0xb9: {  	[tilespmem:s24+$0x10] =	vst v9  }
0xba: {  	v9 =	vld.idx.msk [tilespmem:v56+s1+$0x0], $0xffff;
	_ =	sdelay $0x4  }
0xbb: {  	v8 =	vor.u32 v7, v8;
	v59 =	vshll.u32 v9, $0x2  }
0xbc: {  	v11 =	vshrl.u32 v9, $0xC;
	v9 =	vand.u32 $0xFFFFC000, v9;
	v10 =	vand.u32 $0x3FFC, v59  }
0xbd: {  	v60 =	vand.u32 $0x3, v11;
	v9 =	vor.u32 v9, v10  }
0xbe: {  	v9 =	vor.u32 v60, v9  }
0xbf: {  	[tilespmem:s24+$0x20] =	vst v9  }
0xc0: {  	v8 =	vld.idx.msk [tilespmem:v8+s1+$0x0], $0xffff;
	_ =	sdelay $0x4  }
0xc1: {  	v61 =	vshll.u32 v8, $0x2  }
0xc2: {  	v62 =	vshrl.u32 v8, $0xC;
	v8 =	vand.u32 $0xFFFFC000, v8;
	v9 =	vand.u32 $0x3FFC, v61  }
0xc3: {  	v63 =	vand.u32 $0x3, v62;
	v8 =	vor.u32 v8, v9  }
0xc4: {  	v8 =	vor.u32 v63, v8  }
0xc5: {  	s25 =	simm.s32 $0x4000;
	[tilespmem:s24+$0x30] =	vst v8  }
0xc6: {  	[tilespmem:s31], [sflag:$0x1] =	stream.indirect.gather [hbm4b:s12+s29], $0x20, s25, s29, $0xb8;
	[tilespmem:$0x18A00] =	vst v63  }
0xc7: {  	s24 =	simm.s32 $0x4080  }
0xc8: {  	[tilespmem:s2], [sflag:$0x1] =	stream.indirect.gather [hbm4b:s12+s29], $0x20, s24, s29, $0xb8;
	[tilespmem:$0x18A00] =	vst v63  }
0xc9: {  	s25 =	simm.s32 $0x4100  }
0xca: {  	[tilespmem:s30], [sflag:$0x1] =	stream.indirect.gather [hbm4b:s12+s29], $0x20, s25, s29, $0xb8;
	[tilespmem:$0x18A00] =	vst v63  }
0xcb: {  	s24 =	simm.s32 $0x4180  }
0xcc: {  	[tilespmem:s26], [sflag:$0x1] =	stream.indirect.gather [hbm4b:s12+s29], $0x20, s24, s29, $0xb8;
	[tilespmem:$0x18A00] =	vst v63  }
0xcd: {  	s25 =	simm.s32 $0x4200  }
0xce: {  	[tilespmem:s0], [sflag:$0x1] =	stream.indirect.gather [hbm4b:s12+s29], $0x20, s25, s29, $0xb8;
	[tilespmem:$0x18A00] =	vst v63  }
0xcf: {  	s24 =	simm.s32 $0x4280  }
0xd0: {  	[tilespmem:s3], [sflag:$0x1] =	stream.indirect.gather [hbm4b:s12+s29], $0x20, s24, s29, $0xb8;
	[tilespmem:$0x18A00] =	vst v63  }
0xd1: {  	s25 =	simm.s32 $0x4300  }
0xd2: {  	[tilespmem:s4], [sflag:$0x1] =	stream.indirect.gather [hbm4b:s12+s29], $0x20, s25, s29, $0xb8;
	[tilespmem:$0x18A00] =	vst v63  }
0xd3: {  	s24 =	simm.s32 $0x4380  }
0xd4: {  	[tilespmem:s5], [sflag:$0x1] =	stream.indirect.gather [hbm4b:s12+s29], $0x20, s24, s29, $0xb8;
	[tilespmem:$0x18A00] =	vst v63  }
0xd5: {  	s25 =	simm.s32 $0x4400  }
0xd6: {  	[tilespmem:s6], [sflag:$0x1] =	stream.indirect.gather [hbm4b:s12+s29], $0x20, s25, s29, $0xb8;
	[tilespmem:$0x18A00] =	vst v63  }
0xd7: {  	s24 =	simm.s32 $0x4480  }
0xd8: {  	[tilespmem:s7], [sflag:$0x1] =	stream.indirect.gather [hbm4b:s12+s29], $0x20, s24, s29, $0xb8;
	[tilespmem:$0x18A00] =	vst v63  }
0xd9: {  	s25 =	simm.s32 $0x4500  }
0xda: {  	[tilespmem:s8], [sflag:$0x1] =	stream.indirect.gather [hbm4b:s12+s29], $0x20, s25, s29, $0xb8;
	[tilespmem:$0x18A00] =	vst v63  }
0xdb: {  	s24 =	simm.s32 $0x4580  }
0xdc: {  	[tilespmem:s9], [sflag:$0x1] =	stream.indirect.gather [hbm4b:s12+s29], $0x20, s24, s29, $0xb8;
	[tilespmem:$0x18A00] =	vst v63  }
0xdd: {  	s25 =	simm.s32 $0x4600  }
0xde: {  	[tilespmem:s10], [sflag:$0x1] =	stream.indirect.gather [hbm4b:s12+s29], $0x20, s25, s29, $0xb8;
	[tilespmem:$0x18A00] =	vst v63  }
0xdf: {  	s24 =	simm.s32 $0x4680  }
0xe0: {  	[tilespmem:s11], [sflag:$0x1] =	stream.indirect.gather [hbm4b:s12+s29], $0x20, s24, s29, $0xb8;
	[tilespmem:$0x18A00] =	vst v63  }
0xe1: {  	s25 =	simm.s32 $0x4700  }
0xe2: {  	[tilespmem:s13], [sflag:$0x1] =	stream.indirect.gather [hbm4b:s12+s29], $0x20, s25, s29, $0xb8;
	[tilespmem:$0x18A00] =	vst v63  }
0xe3: {  	s24 =	simm.s32 $0x4780  }
0xe4: {  	[tilespmem:s14], [sflag:$0x1] =	stream.indirect.gather [hbm4b:s12+s29], $0x20, s24, s29, $0xb8;
	[tilespmem:$0x18A00] =	vst v63  }
0xe5: {  	s25 =	simm.s32 $0x4800  }
0xe6: {  	[tilespmem:s15], [sflag:$0x1] =	stream.indirect.gather [hbm4b:s12+s29], $0x20, s25, s29, $0xb8;
	[tilespmem:$0x18A00] =	vst v63  }
0xe7: {  	s24 =	simm.s32 $0x4880  }
0xe8: {  	[tilespmem:s16], [sflag:$0x1] =	stream.indirect.gather [hbm4b:s12+s29], $0x20, s24, s29, $0xb8;
	[tilespmem:$0x18A00] =	vst v63  }
0xe9: {  	s25 =	simm.s32 $0x4900  }
0xea: {  	[tilespmem:s17], [sflag:$0x1] =	stream.indirect.gather [hbm4b:s12+s29], $0x20, s25, s29, $0xb8;
	[tilespmem:$0x18A00] =	vst v63  }
0xeb: {  	s24 =	simm.s32 $0x4980  }
0xec: {  	[tilespmem:s18], [sflag:$0x1] =	stream.indirect.gather [hbm4b:s12+s29], $0x20, s24, s29, $0xb8;
	[tilespmem:$0x18A00] =	vst v63  }
0xed: {  	_ =	swait.ge [sflag:s19], $0x1000  }
0xee: {  	[sflag:s19] =	ssyncset.done $0x0  }
0xef: {  	[sflag:s19] =	ssyncadd.s32 $0xFFFFF000  }
0xf0: {  	_ =	swait.ge [sflag:s19], $0x1000  }
0xf1: {  	[sflag:s19] =	ssyncset.done $0x0  }
0xf2: {  	[sflag:s19] =	ssyncadd.s32 $0xFFFFF000  }
0xf3: {  	_ =	swait.ge [sflag:s19], $0x1000  }
0xf4: {  	[sflag:s19] =	ssyncset.done $0x0  }
0xf5: {  	[sflag:s19] =	ssyncadd.s32 $0xFFFFF000  }
0xf6: {  	_ =	swait.ge [sflag:s19], $0x1000  }
0xf7: {  	[sflag:s19] =	ssyncset.done $0x0  }
0xf8: {  	[sflag:s19] =	ssyncadd.s32 $0xFFFFF000  }
0xf9: {  	_ =	swait.ge [sflag:s19], $0x1000  }
0xfa: {  	[sflag:s19] =	ssyncset.done $0x0  }
0xfb: {  	[sflag:s19] =	ssyncadd.s32 $0xFFFFF000  }
0xfc: {  	_ =	swait.ge [sflag:s19], $0x1000  }
0xfd: {  	[sflag:s19] =	ssyncset.done $0x0  }
0xfe: {  	[sflag:s19] =	ssyncadd.s32 $0xFFFFF000  }
0xff: {  	_ =	swait.ge [sflag:s19], $0x1000  }
0x100: {  	[sflag:s19] =	ssyncset.done $0x0  }
0x101: {  	[sflag:s19] =	ssyncadd.s32 $0xFFFFF000  }
0x102: {  	_ =	swait.ge [sflag:s19], $0x1000  }
0x103: {  	[sflag:s19] =	ssyncset.done $0x0  }
0x104: {  	[sflag:s19] =	ssyncadd.s32 $0xFFFFF000  }
0x105: {  	_ =	swait.ge [sflag:s19], $0x1000  }
0x106: {  	[sflag:s19] =	ssyncset.done $0x0  }
0x107: {  	[sflag:s19] =	ssyncadd.s32 $0xFFFFF000  }
0x108: {  	_ =	swait.ge [sflag:s19], $0x1000  }
0x109: {  	[sflag:s19] =	ssyncset.done $0x0  }
0x10a: {  	[sflag:s19] =	ssyncadd.s32 $0xFFFFF000  }
0x10b: {  	_ =	swait.ge [sflag:s19], $0x1000  }
0x10c: {  	[sflag:s19] =	ssyncset.done $0x0  }
0x10d: {  	[sflag:s19] =	ssyncadd.s32 $0xFFFFF000  }
0x10e: {  	_ =	swait.ge [sflag:s19], $0x1000  }
0x10f: {  	[sflag:s19] =	ssyncset.done $0x0  }
0x110: {  	[sflag:s19] =	ssyncadd.s32 $0xFFFFF000  }
0x111: {  	_ =	swait.ge [sflag:s19], $0x1000  }
0x112: {  	[sflag:s19] =	ssyncset.done $0x0  }
0x113: {  	[sflag:s19] =	ssyncadd.s32 $0xFFFFF000  }
0x114: {  	_ =	swait.ge [sflag:s19], $0x1000  }
0x115: {  	[sflag:s19] =	ssyncset.done $0x0  }
0x116: {  	[sflag:s19] =	ssyncadd.s32 $0xFFFFF000  }
0x117: {  	_ =	swait.ge [sflag:s19], $0x1000  }
0x118: {  	[sflag:s19] =	ssyncset.done $0x0  }
0x119: {  	[sflag:s19] =	ssyncadd.s32 $0xFFFFF000  }
0x11a: {  	_ =	swait.ge [sflag:s19], $0x1000  }
0x11b: {  	[sflag:s19] =	ssyncset.done $0x0  }
0x11c: {  	[sflag:s19] =	ssyncadd.s32 $0xFFFFF000  }
0x11d: {  	_ =	swait.ge [sflag:s19], $0x1000  }
0x11e: {  	[sflag:s19] =	ssyncset.done $0x0  }
0x11f: {  	[sflag:s19] =	ssyncadd.s32 $0xFFFFF000  }
0x120: {  	_ =	swait.ge [sflag:s19], $0x1000  }
0x121: {  	[sflag:s19] =	ssyncset.done $0x0  }
0x122: {  	[sflag:s19] =	ssyncadd.s32 $0xFFFFF000  }
0x123: {  	_ =	swait.ge [sflag:s19], $0x1000  }
0x124: {  	[sflag:s19] =	ssyncset.done $0x0  }
0x125: {  	[sflag:s19] =	ssyncadd.s32 $0xFFFFF000  }
0x126: {  	_ =	swait.ge [sflag:s19], $0x1000  }
0x127: {  	[sflag:s19] =	ssyncset.done $0x0;
	s25 =	rddreg [dreg:$0x3]  }
0x128: {  	[sflag:s19] =	ssyncadd.s32 $0xFFFFF000;
	s23 =	sadd.s32 s25, s22  }
0x129: {  	[hbm4b:s23+s20] =	stream.strided.scatter [tilespmem:s31], [sflag:$0x2], $0x1000, s29, s20, $0x38;
	[tilespmem:$0x18A00] =	vst v63  }
0x12a: {  	_ =	swait.ge [sflag:s28], $0x1000  }
0x12b: {  	[sflag:s28] =	ssyncset.done $0x0;
	s24 =	rddreg [dreg:$0x4]  }
0x12c: {  	[sflag:s28] =	ssyncadd.s32 $0xFFFFF000;
	s23 =	sadd.s32 s22, s24  }
0x12d: {  	[hbm4b:s23+s20] =	stream.strided.scatter [tilespmem:s2], [sflag:$0x2], $0x1000, s29, s20, $0x38;
	[tilespmem:$0x18A00] =	vst v63  }
0x12e: {  	_ =	swait.ge [sflag:s28], $0x1000  }
0x12f: {  	[sflag:s28] =	ssyncset.done $0x0;
	s25 =	rddreg [dreg:$0x5]  }
0x130: {  	[sflag:s28] =	ssyncadd.s32 $0xFFFFF000;
	s23 =	sadd.s32 s22, s25  }
0x131: {  	[hbm4b:s23+s20] =	stream.strided.scatter [tilespmem:s30], [sflag:$0x2], $0x1000, s29, s20, $0x38;
	[tilespmem:$0x18A00] =	vst v63  }
0x132: {  	_ =	swait.ge [sflag:s28], $0x1000  }
0x133: {  	[sflag:s28] =	ssyncset.done $0x0;
	s24 =	rddreg [dreg:$0x6]  }
0x134: {  	[sflag:s28] =	ssyncadd.s32 $0xFFFFF000;
	s23 =	sadd.s32 s22, s24  }
0x135: {  	[hbm4b:s23+s20] =	stream.strided.scatter [tilespmem:s26], [sflag:$0x2], $0x1000, s29, s20, $0x38;
	[tilespmem:$0x18A00] =	vst v63  }
0x136: {  	_ =	swait.ge [sflag:s28], $0x1000  }
0x137: {  	[sflag:s28] =	ssyncset.done $0x0;
	s25 =	rddreg [dreg:$0x7]  }
0x138: {  	[sflag:s28] =	ssyncadd.s32 $0xFFFFF000;
	s23 =	sadd.s32 s22, s25  }
0x139: {  	[hbm4b:s23+s20] =	stream.strided.scatter [tilespmem:s0], [sflag:$0x2], $0x1000, s29, s20, $0x38;
	[tilespmem:$0x18A00] =	vst v63  }
0x13a: {  	_ =	swait.ge [sflag:s28], $0x1000  }
0x13b: {  	[sflag:s28] =	ssyncset.done $0x0;
	s24 =	rddreg [dreg:$0x8]  }
0x13c: {  	[sflag:s28] =	ssyncadd.s32 $0xFFFFF000;
	s23 =	sadd.s32 s22, s24  }
0x13d: {  	[hbm4b:s23+s20] =	stream.strided.scatter [tilespmem:s3], [sflag:$0x2], $0x1000, s29, s20, $0x38;
	[tilespmem:$0x18A00] =	vst v63  }
0x13e: {  	_ =	swait.ge [sflag:s28], $0x1000  }
0x13f: {  	[sflag:s28] =	ssyncset.done $0x0;
	s25 =	rddreg [dreg:$0x9]  }
0x140: {  	[sflag:s28] =	ssyncadd.s32 $0xFFFFF000;
	s23 =	sadd.s32 s22, s25  }
0x141: {  	[hbm4b:s23+s20] =	stream.strided.scatter [tilespmem:s4], [sflag:$0x2], $0x1000, s29, s20, $0x38;
	[tilespmem:$0x18A00] =	vst v63  }
0x142: {  	_ =	swait.ge [sflag:s28], $0x1000  }
0x143: {  	[sflag:s28] =	ssyncset.done $0x0;
	s24 =	rddreg [dreg:$0xa]  }
0x144: {  	[sflag:s28] =	ssyncadd.s32 $0xFFFFF000;
	s23 =	sadd.s32 s22, s24  }
0x145: {  	[hbm4b:s23+s20] =	stream.strided.scatter [tilespmem:s5], [sflag:$0x2], $0x1000, s29, s20, $0x38;
	[tilespmem:$0x18A00] =	vst v63  }
0x146: {  	_ =	swait.ge [sflag:s28], $0x1000  }
0x147: {  	[sflag:s28] =	ssyncset.done $0x0;
	s25 =	rddreg [dreg:$0xb]  }
0x148: {  	[sflag:s28] =	ssyncadd.s32 $0xFFFFF000;
	s23 =	sadd.s32 s22, s25  }
0x149: {  	[hbm4b:s23+s20] =	stream.strided.scatter [tilespmem:s6], [sflag:$0x2], $0x1000, s29, s20, $0x38;
	[tilespmem:$0x18A00] =	vst v63  }
0x14a: {  	_ =	swait.ge [sflag:s28], $0x1000  }
0x14b: {  	[sflag:s28] =	ssyncset.done $0x0;
	s24 =	rddreg [dreg:$0xc]  }
0x14c: {  	[sflag:s28] =	ssyncadd.s32 $0xFFFFF000;
	s23 =	sadd.s32 s22, s24  }
0x14d: {  	[hbm4b:s23+s20] =	stream.strided.scatter [tilespmem:s7], [sflag:$0x2], $0x1000, s29, s20, $0x38;
	[tilespmem:$0x18A00] =	vst v63  }
0x14e: {  	_ =	swait.ge [sflag:s28], $0x1000  }
0x14f: {  	[sflag:s28] =	ssyncset.done $0x0;
	s25 =	rddreg [dreg:$0xd]  }
0x150: {  	[sflag:s28] =	ssyncadd.s32 $0xFFFFF000;
	s23 =	sadd.s32 s22, s25  }
0x151: {  	[hbm4b:s23+s20] =	stream.strided.scatter [tilespmem:s8], [sflag:$0x2], $0x1000, s29, s20, $0x38;
	[tilespmem:$0x18A00] =	vst v63  }
0x152: {  	_ =	swait.ge [sflag:s28], $0x1000  }
0x153: {  	[sflag:s28] =	ssyncset.done $0x0;
	s24 =	rddreg [dreg:$0xe]  }
0x154: {  	[sflag:s28] =	ssyncadd.s32 $0xFFFFF000;
	s23 =	sadd.s32 s22, s24  }
0x155: {  	[hbm4b:s23+s20] =	stream.strided.scatter [tilespmem:s9], [sflag:$0x2], $0x1000, s29, s20, $0x38;
	[tilespmem:$0x18A00] =	vst v63  }
0x156: {  	_ =	swait.ge [sflag:s28], $0x1000  }
0x157: {  	[sflag:s28] =	ssyncset.done $0x0;
	s25 =	rddreg [dreg:$0xf]  }
0x158: {  	[sflag:s28] =	ssyncadd.s32 $0xFFFFF000;
	s23 =	sadd.s32 s22, s25  }
0x159: {  	[hbm4b:s23+s20] =	stream.strided.scatter [tilespmem:s10], [sflag:$0x2], $0x1000, s29, s20, $0x38;
	[tilespmem:$0x18A00] =	vst v63  }
0x15a: {  	_ =	swait.ge [sflag:s28], $0x1000  }
0x15b: {  	[sflag:s28] =	ssyncset.done $0x0;
	s24 =	rddreg [dreg:$0x10]  }
0x15c: {  	[sflag:s28] =	ssyncadd.s32 $0xFFFFF000;
	s23 =	sadd.s32 s22, s24  }
0x15d: {  	[hbm4b:s23+s20] =	stream.strided.scatter [tilespmem:s11], [sflag:$0x2], $0x1000, s29, s20, $0x38;
	[tilespmem:$0x18A00] =	vst v63  }
0x15e: {  	_ =	swait.ge [sflag:s28], $0x1000  }
0x15f: {  	[sflag:s28] =	ssyncset.done $0x0;
	s25 =	rddreg [dreg:$0x11]  }
0x160: {  	[sflag:s28] =	ssyncadd.s32 $0xFFFFF000;
	s23 =	sadd.s32 s22, s25  }
0x161: {  	[hbm4b:s23+s20] =	stream.strided.scatter [tilespmem:s13], [sflag:$0x2], $0x1000, s29, s20, $0x38;
	[tilespmem:$0x18A00] =	vst v63  }
0x162: {  	_ =	swait.ge [sflag:s28], $0x1000  }
0x163: {  	[sflag:s28] =	ssyncset.done $0x0;
	s24 =	rddreg [dreg:$0x12]  }
0x164: {  	[sflag:s28] =	ssyncadd.s32 $0xFFFFF000;
	s23 =	sadd.s32 s22, s24  }
0x165: {  	[hbm4b:s23+s20] =	stream.strided.scatter [tilespmem:s14], [sflag:$0x2], $0x1000, s29, s20, $0x38;
	[tilespmem:$0x18A00] =	vst v63  }
0x166: {  	_ =	swait.ge [sflag:s28], $0x1000  }
0x167: {  	[sflag:s28] =	ssyncset.done $0x0;
	s25 =	rddreg [dreg:$0x14]  }
0x168: {  	[sflag:s28] =	ssyncadd.s32 $0xFFFFF000;
	s23 =	sadd.s32 s22, s25  }
0x169: {  	[hbm4b:s23+s20] =	stream.strided.scatter [tilespmem:s15], [sflag:$0x2], $0x1000, s29, s20, $0x38;
	[tilespmem:$0x18A00] =	vst v63  }
0x16a: {  	_ =	swait.ge [sflag:s28], $0x1000  }
0x16b: {  	[sflag:s28] =	ssyncset.done $0x0;
	s24 =	rddreg [dreg:$0x15]  }
0x16c: {  	[sflag:s28] =	ssyncadd.s32 $0xFFFFF000;
	s23 =	sadd.s32 s22, s24  }
0x16d: {  	[hbm4b:s23+s20] =	stream.strided.scatter [tilespmem:s16], [sflag:$0x2], $0x1000, s29, s20, $0x38;
	[tilespmem:$0x18A00] =	vst v63  }
0x16e: {  	_ =	swait.ge [sflag:s28], $0x1000  }
0x16f: {  	[sflag:s28] =	ssyncset.done $0x0;
	s25 =	rddreg [dreg:$0x16]  }
0x170: {  	[sflag:s28] =	ssyncadd.s32 $0xFFFFF000;
	s23 =	sadd.s32 s22, s25  }
0x171: {  	[hbm4b:s23+s20] =	stream.strided.scatter [tilespmem:s17], [sflag:$0x2], $0x1000, s29, s20, $0x38;
	[tilespmem:$0x18A00] =	vst v63  }
0x172: {  	s21 =	sadd.s32 $0x1, s21;
	_ =	swait.ge [sflag:s28], $0x1000  }
0x173: {  	p0 =	sne.s32 s21, $0x4;
	[sflag:s28] =	ssyncset.done $0x0;
	s24 =	rddreg [dreg:$0x17]  }
.Ltmp1:
0x174: {  	[sflag:s28] =	ssyncadd.s32 $0xFFFFF000;
	s25 =	sadd.s32 s22, s24;
	(pc) =	sbr.rel @p0 .LBB2_2-.Ltmp1, $4  }
0x175: {  	[hbm4b:s25+s20] =	stream.strided.scatter [tilespmem:s18], [sflag:$0x2], $0x1000, s29, s20, $0x38;
	[tilespmem:$0x18A00] =	vst v63  }
0x176: {  	_ =	swait.ge [sflag:s28], $0x1000  }
0x177: {  	[sflag:s28] =	ssyncset.done $0x0  }
0x178: {  	[sflag:s28] =	ssyncadd.s32 $0xFFFFF000  }
0x179: {  	s22 =	rddreg [dreg:$0x19]  }
0x17a: {  	s21 =	rddreg [dreg:$0x18];
	s22 =	sadd.s32 $0x1, s22  }
0x17b: {  	p0 =	sne.s32 s22, s21  }
.Ltmp2:
0x17c: {  	_ = 	snop;
	(pc) =	sbr.rel @p0 .LBB2_1-.Ltmp2, $1  }
0x17d: {  	_ =	sdelay $0x3  }
0x17e: {  	_ =	sfence.sel $0x180000  }
0x17f: {  	[bflag:$0x0] =	sbarrier.arrive $0xFFFF  }
0x180: {  	_ =	strace $0x90000047  }
0x181: {  	s0 =	stileid.u32;
	[bflag:$0x2] =	sbarrier.arrive $0xFFFF  }
0x182: {  	p0 =	sne.s32 s0, $0x0;
	s0 =	rddreg [dreg:$0x1]  }
0x183: {  	s0 =	sadd.s32 @!p0 $0x100000, s0  }
0x184: {  	[sflag:s0] =	ssyncadd.tile.s32 @!p0 $0x1;
	_ =	shalt  }
.Lfunc_end2:
_tile_overlayer_lowered:
.L_overlay_start_2:
0x185: {  	(tag) =	ssettag $0x2  }
0x186: {  	s0 =	rddreg [dreg:$0x0];
	s2 =	stileid.u32  }
0x187: {  	s1 =	rddreg [dreg:$0x1];
	p0 =	sne.s32 s2, $0x0  }
0x188: {  	s3 =	rddreg [dreg:$0x2];
	[bflag:$0x3] =	sbarrier.arrive $0xFFFF;
	s2 =	simm.s32 @!p0 $0x1C02  }
0x189: {  	[timem:s3], [sflag:s2] =	dma.local @!p0 [hbm:s0], s1  }
0x18a: {  	s0 =	simm.s32 @!p0 $0x2  }
0x18b: {  	_ =	swait.ge @!p0 [sflag:s0], s1  }
0x18c: {  	s1 =	ssub.s32 @!p0 $0x0, s1;
	[sflag:s0] =	ssyncset.done @!p0 $0x0  }
0x18d: {  	[sflag:s0] =	ssyncadd.s32 @!p0 s1  }
0x18e: {  	[bflag:$0x3] =	sbarrier.arrive $0xFFFF  }
0x18f: {  	_ =	shalt  }

</sc_bundles>
